<compile_context>
chip_gen: v7x
topology: tpu7x:2x2x1
jax: 0.10.2.dev20260603
libtpu: 0.0.44.dev20260713+nightly
codegen_flags: <defaults>
</compile_context>

<pallas_src>
import functools

import jax
import jax.numpy as jnp
from jax import lax
from jax.experimental import pallas as pl
from jax.experimental.pallas import tpu as pltpu
from jax.experimental.pallas import tpu_sc as plsc

D = 128
CPR = 128
NBUF = 4


@functools.partial(jax.jit, static_argnames=("nw", "chunks"))
def _gather_rows(pe, idx2d, *, nw, chunks):
    rows_per_w = chunks * CPR
    mesh = plsc.VectorSubcoreMesh(core_axis_name="c", subcore_axis_name="s")
    nc = mesh.num_cores

    @functools.partial(
        pl.kernel,
        out_type=jax.ShapeDtypeStruct((nw * rows_per_w, D), jnp.float32),
        mesh=mesh,
        scratch_types=[
            pltpu.VMEM((chunks, CPR), jnp.int32),
            pltpu.VMEM((NBUF, CPR, D), jnp.float32),
            pltpu.SemaphoreType.DMA((NBUF,)),
            pltpu.SemaphoreType.DMA((NBUF,)),
        ],
    )
    def k(pe_hbm, idx_hbm, out_hbm, idx_v, rows, gsem, ssem):
        wid = lax.axis_index("s") * nc + lax.axis_index("c")
        row0 = wid * rows_per_w
        pltpu.sync_copy(idx_hbm.at[pl.ds(wid * chunks, chunks)], idx_v)

        for b in range(NBUF):
            pltpu.async_copy(pe_hbm.at[idx_v.at[b]], rows.at[b], gsem.at[b])

        @pl.loop(0, chunks - NBUF, step=NBUF)
        def _(j0):
            for b in range(NBUF):
                j = j0 + b
                dst = out_hbm.at[pl.ds(row0 + j * CPR, CPR)]
                pltpu.make_async_copy(
                    pe_hbm.at[idx_v.at[j]], rows.at[b], gsem.at[b]
                ).wait()
                pltpu.async_copy(rows.at[b], dst, ssem.at[b])
                pltpu.make_async_copy(rows.at[b], dst, ssem.at[b]).wait()
                pltpu.async_copy(
                    pe_hbm.at[idx_v.at[j + NBUF]], rows.at[b], gsem.at[b]
                )

        for b in range(NBUF):
            j = chunks - NBUF + b
            dst = out_hbm.at[pl.ds(row0 + j * CPR, CPR)]
            pltpu.make_async_copy(
                pe_hbm.at[idx_v.at[j]], rows.at[b], gsem.at[b]
            ).wait()
            pltpu.async_copy(rows.at[b], dst, ssem.at[b])
            pltpu.make_async_copy(rows.at[b], dst, ssem.at[b]).wait()

    return k(pe, idx2d)


def kernel(timesteps, pe):
    bsz, hist = timesteps.shape
    total = bsz * hist
    nw = 32
    chunks = total // (nw * CPR)
    assert chunks * nw * CPR == total
    idx2d = timesteps.reshape(nw * chunks, CPR)
    out = _gather_rows(pe, idx2d, nw=nw, chunks=chunks)
    return out.reshape(bsz, hist, pe.shape[1])

# --- scband reference (transcript-rebuilt; emitter-appended) ---
"""Pipeline reference for scband-sinusoidal-positional-encoding-16681652978331 (READ-ONLY COPY).

The authoritative reference and input builder live on the scoring server;
editing this copy changes nothing except your own understanding.
"""

import jax, jax.numpy as jnp
import numpy as np
import math

D_MODEL = 128
MAX_LEN = 100000
BATCH = 4096
HIST = 200


def _build_pe(max_len, d_model):
    position = jnp.arange(max_len, dtype=jnp.float32)[:, None]
    div_term = jnp.exp(jnp.arange(0, d_model, 2, dtype=jnp.float32) * (-math.log(10000.0) / d_model))
    pe = jnp.zeros((max_len, d_model), dtype=jnp.float32)
    pe = pe.at[:, 0::2].set(jnp.sin(position * div_term))
    pe = pe.at[:, 1::2].set(jnp.cos(position * div_term))
    return pe


def setup_inputs(seed: int = 0) -> dict:
    key = jax.random.key(seed)
    timesteps = jax.random.randint(key, (BATCH, HIST), 0, MAX_LEN, dtype=jnp.int32)
    pe = _build_pe(MAX_LEN, D_MODEL)
    return {"timesteps": timesteps, "pe": pe}


def reference(timesteps, pe):
    # SinusoidalPositionalEncoding.forward: gather rows of the pe buffer
    return jnp.take(pe, timesteps, axis=0)

if __name__ == "__main__":
    import jax
    _d = setup_inputs()
    print(jax.jit(kernel)(*tuple(_d.values())))

</pallas_src>

<mosaic_0001>
#map = affine_map<(d0, d1) -> (0, 0)>
module attributes {stable_mosaic.version = 14 : i64} {
  func.func @k(%arg0: i32, %arg1: i32, %arg2: memref<100000x128xf32, #tpu.memory_space<hbm>>, %arg3: memref<6400x128xi32, #tpu.memory_space<hbm>>, %arg4: memref<819200x128xf32, #tpu.memory_space<hbm>>, %arg5: memref<200x128xi32, #tpu.memory_space<vmem>>, %arg6: memref<4x128x128xf32, #tpu.memory_space<vmem>>, %arg7: memref<4x!tpu.dma_semaphore, #tpu.memory_space<semaphore_mem>>, %arg8: memref<4x!tpu.dma_semaphore, #tpu.memory_space<semaphore_mem>>) attributes {dimension_semantics = [#tpu.dimension_semantics<core_parallel>, #tpu.dimension_semantics<subcore_parallel>], iteration_bounds = array<i64: 2, 16>, scalar_prefetch = 0 : i64, scratch_operands = 4 : i64, tpu.core_type = #tpu.core_type<sc_vector_subcore>, window_params = [{transform_indices = #map}, {transform_indices = #map}, {transform_indices = #map}]} {
    %mul3A = arith.constant 2 : i32
    %mul3A_0 = arith.muli %arg1, %mul3A : i32
    %add3A = arith.addi %mul3A_0, %arg0 : i32
    %mul3A_1 = arith.constant 25600 : i32
    %mul3A_2 = arith.muli %add3A, %mul3A_1 : i32
    %mul3A_3 = arith.constant 200 : i32
    %mul3A_4 = arith.muli %add3A, %mul3A_3 : i32
    "tpu.region"() ({
      %run_scoped3A = tpu.sem_alloc : memref<!tpu.dma_semaphore, #tpu.memory_space<semaphore_mem>>
      %dma_start3A_263 = arith.constant 0 : i32
      %dma_start3A_264 = tpu.memref_slice %arg3[%mul3A_4, %dma_start3A_263] : memref<6400x128xi32, #tpu.memory_space<hbm>> -> memref<200x128xi32, #tpu.memory_space<hbm>>
      %dma_start3A_265 = arith.constant 0 : i32
      %dma_start3A_266 = tpu.memref_slice %arg3[%mul3A_4, %dma_start3A_265] : memref<6400x128xi32, #tpu.memory_space<hbm>> -> memref<200x128xi32, #tpu.memory_space<hbm>>
      tpu.enqueue_dma source(%dma_start3A_266 : memref<200x128xi32, #tpu.memory_space<hbm>>) target(%arg5 : memref<200x128xi32, #tpu.memory_space<vmem>>) target_semaphore(%run_scoped3A : memref<!tpu.dma_semaphore, #tpu.memory_space<semaphore_mem>>)
      %dma_wait3A_267 = arith.constant 0 : i32
      %dma_wait3A_268 = tpu.memref_slice %arg3[%mul3A_4, %dma_wait3A_267] : memref<6400x128xi32, #tpu.memory_space<hbm>> -> memref<200x128xi32, #tpu.memory_space<hbm>>
      %dma_wait3A_269 = arith.constant 0 : i32
      %dma_wait3A_270 = tpu.memref_slice %arg3[%mul3A_4, %dma_wait3A_269] : memref<6400x128xi32, #tpu.memory_space<hbm>> -> memref<200x128xi32, #tpu.memory_space<hbm>>
      tpu.wait_dma2 semaphore(%run_scoped3A : memref<!tpu.dma_semaphore, #tpu.memory_space<semaphore_mem>>) src(%dma_wait3A_270 : memref<200x128xi32, #tpu.memory_space<hbm>>) dst(%arg5 : memref<200x128xi32, #tpu.memory_space<vmem>>)
      tpu.yield
    }) : () -> ()
    %dma_start3A = arith.constant 0 : i32
    %dma_start3A_5 = arith.constant 0 : i32
    %dma_start3A_6 = arith.constant 0 : i32
    %dma_start3A_7 = arith.constant 0 : i32
    %dma_start3A_8 = arith.constant 0 : i32
    %dma_start3A_9 = tpu.memref_slice %arg6[%dma_start3A_5, %dma_start3A_7, %dma_start3A_8] : memref<4x128x128xf32, #tpu.memory_space<vmem>> -> memref<1x128x128xf32, #tpu.memory_space<vmem>>
    %dma_start3A_10 = tpu.memref_squeeze %dma_start3A_9 : memref<1x128x128xf32, #tpu.memory_space<vmem>> -> memref<128x128xf32, #tpu.memory_space<vmem>>
    %dma_start3A_11 = arith.constant 0 : i32
    %dma_start3A_12 = tpu.memref_slice %arg5[%dma_start3A, %dma_start3A_11] : memref<200x128xi32, #tpu.memory_space<vmem>> -> memref<1x128xi32, #tpu.memory_space<vmem>>
    %dma_start3A_13 = tpu.memref_squeeze %dma_start3A_12 : memref<1x128xi32, #tpu.memory_space<vmem>> -> memref<128xi32, #tpu.memory_space<vmem>>
    %dma_start3A_14 = arith.constant 0 : i32
    %dma_start3A_15 = arith.constant 0 : i32
    %dma_start3A_16 = tpu.memref_slice %arg2[%dma_start3A_14, %dma_start3A_15] : memref<100000x128xf32, #tpu.memory_space<hbm>> -> memref<100000x128xf32, #tpu.memory_space<hbm>>
    %dma_start3A_17 = tpu.memref_slice %arg7[%dma_start3A_6] : memref<4x!tpu.dma_semaphore, #tpu.memory_space<semaphore_mem>> -> memref<1x!tpu.dma_semaphore, #tpu.memory_space<semaphore_mem>>
    %dma_start3A_18 = tpu.memref_squeeze %dma_start3A_17 : memref<1x!tpu.dma_semaphore, #tpu.memory_space<semaphore_mem>> -> memref<!tpu.dma_semaphore, #tpu.memory_space<semaphore_mem>>
    tpu.enqueue_indirect_dma source(%dma_start3A_16 : memref<100000x128xf32, #tpu.memory_space<hbm>>) target(%dma_start3A_10 : memref<128x128xf32, #tpu.memory_space<vmem>>) offsets(%dma_start3A_13 : memref<128xi32, #tpu.memory_space<vmem>>) semaphore(%dma_start3A_18 : memref<!tpu.dma_semaphore, #tpu.memory_space<semaphore_mem>>)
    %dma_start3A_19 = arith.constant 1 : i32
    %dma_start3A_20 = arith.constant 1 : i32
    %dma_start3A_21 = arith.constant 1 : i32
    %dma_start3A_22 = arith.constant 0 : i32
    %dma_start3A_23 = arith.constant 0 : i32
    %dma_start3A_24 = tpu.memref_slice %arg6[%dma_start3A_20, %dma_start3A_22, %dma_start3A_23] : memref<4x128x128xf32, #tpu.memory_space<vmem>> -> memref<1x128x128xf32, #tpu.memory_space<vmem>>
    %dma_start3A_25 = tpu.memref_squeeze %dma_start3A_24 : memref<1x128x128xf32, #tpu.memory_space<vmem>> -> memref<128x128xf32, #tpu.memory_space<vmem>>
    %dma_start3A_26 = arith.constant 0 : i32
    %dma_start3A_27 = tpu.memref_slice %arg5[%dma_start3A_19, %dma_start3A_26] : memref<200x128xi32, #tpu.memory_space<vmem>> -> memref<1x128xi32, #tpu.memory_space<vmem>>
    %dma_start3A_28 = tpu.memref_squeeze %dma_start3A_27 : memref<1x128xi32, #tpu.memory_space<vmem>> -> memref<128xi32, #tpu.memory_space<vmem>>
    %dma_start3A_29 = arith.constant 0 : i32
    %dma_start3A_30 = arith.constant 0 : i32
    %dma_start3A_31 = tpu.memref_slice %arg2[%dma_start3A_29, %dma_start3A_30] : memref<100000x128xf32, #tpu.memory_space<hbm>> -> memref<100000x128xf32, #tpu.memory_space<hbm>>
    %dma_start3A_32 = tpu.memref_slice %arg7[%dma_start3A_21] : memref<4x!tpu.dma_semaphore, #tpu.memory_space<semaphore_mem>> -> memref<1x!tpu.dma_semaphore, #tpu.memory_space<semaphore_mem>>
    %dma_start3A_33 = tpu.memref_squeeze %dma_start3A_32 : memref<1x!tpu.dma_semaphore, #tpu.memory_space<semaphore_mem>> -> memref<!tpu.dma_semaphore, #tpu.memory_space<semaphore_mem>>
    tpu.enqueue_indirect_dma source(%dma_start3A_31 : memref<100000x128xf32, #tpu.memory_space<hbm>>) target(%dma_start3A_25 : memref<128x128xf32, #tpu.memory_space<vmem>>) offsets(%dma_start3A_28 : memref<128xi32, #tpu.memory_space<vmem>>) semaphore(%dma_start3A_33 : memref<!tpu.dma_semaphore, #tpu.memory_space<semaphore_mem>>)
    %dma_start3A_34 = arith.constant 2 : i32
    %dma_start3A_35 = arith.constant 2 : i32
    %dma_start3A_36 = arith.constant 2 : i32
    %dma_start3A_37 = arith.constant 0 : i32
    %dma_start3A_38 = arith.constant 0 : i32
    %dma_start3A_39 = tpu.memref_slice %arg6[%dma_start3A_35, %dma_start3A_37, %dma_start3A_38] : memref<4x128x128xf32, #tpu.memory_space<vmem>> -> memref<1x128x128xf32, #tpu.memory_space<vmem>>
    %dma_start3A_40 = tpu.memref_squeeze %dma_start3A_39 : memref<1x128x128xf32, #tpu.memory_space<vmem>> -> memref<128x128xf32, #tpu.memory_space<vmem>>
    %dma_start3A_41 = arith.constant 0 : i32
    %dma_start3A_42 = tpu.memref_slice %arg5[%dma_start3A_34, %dma_start3A_41] : memref<200x128xi32, #tpu.memory_space<vmem>> -> memref<1x128xi32, #tpu.memory_space<vmem>>
    %dma_start3A_43 = tpu.memref_squeeze %dma_start3A_42 : memref<1x128xi32, #tpu.memory_space<vmem>> -> memref<128xi32, #tpu.memory_space<vmem>>
    %dma_start3A_44 = arith.constant 0 : i32
    %dma_start3A_45 = arith.constant 0 : i32
    %dma_start3A_46 = tpu.memref_slice %arg2[%dma_start3A_44, %dma_start3A_45] : memref<100000x128xf32, #tpu.memory_space<hbm>> -> memref<100000x128xf32, #tpu.memory_space<hbm>>
    %dma_start3A_47 = tpu.memref_slice %arg7[%dma_start3A_36] : memref<4x!tpu.dma_semaphore, #tpu.memory_space<semaphore_mem>> -> memref<1x!tpu.dma_semaphore, #tpu.memory_space<semaphore_mem>>
    %dma_start3A_48 = tpu.memref_squeeze %dma_start3A_47 : memref<1x!tpu.dma_semaphore, #tpu.memory_space<semaphore_mem>> -> memref<!tpu.dma_semaphore, #tpu.memory_space<semaphore_mem>>
    tpu.enqueue_indirect_dma source(%dma_start3A_46 : memref<100000x128xf32, #tpu.memory_space<hbm>>) target(%dma_start3A_40 : memref<128x128xf32, #tpu.memory_space<vmem>>) offsets(%dma_start3A_43 : memref<128xi32, #tpu.memory_space<vmem>>) semaphore(%dma_start3A_48 : memref<!tpu.dma_semaphore, #tpu.memory_space<semaphore_mem>>)
    %dma_start3A_49 = arith.constant 3 : i32
    %dma_start3A_50 = arith.constant 3 : i32
    %dma_start3A_51 = arith.constant 3 : i32
    %dma_start3A_52 = arith.constant 0 : i32
    %dma_start3A_53 = arith.constant 0 : i32
    %dma_start3A_54 = tpu.memref_slice %arg6[%dma_start3A_50, %dma_start3A_52, %dma_start3A_53] : memref<4x128x128xf32, #tpu.memory_space<vmem>> -> memref<1x128x128xf32, #tpu.memory_space<vmem>>
    %dma_start3A_55 = tpu.memref_squeeze %dma_start3A_54 : memref<1x128x128xf32, #tpu.memory_space<vmem>> -> memref<128x128xf32, #tpu.memory_space<vmem>>
    %dma_start3A_56 = arith.constant 0 : i32
    %dma_start3A_57 = tpu.memref_slice %arg5[%dma_start3A_49, %dma_start3A_56] : memref<200x128xi32, #tpu.memory_space<vmem>> -> memref<1x128xi32, #tpu.memory_space<vmem>>
    %dma_start3A_58 = tpu.memref_squeeze %dma_start3A_57 : memref<1x128xi32, #tpu.memory_space<vmem>> -> memref<128xi32, #tpu.memory_space<vmem>>
    %dma_start3A_59 = arith.constant 0 : i32
    %dma_start3A_60 = arith.constant 0 : i32
    %dma_start3A_61 = tpu.memref_slice %arg2[%dma_start3A_59, %dma_start3A_60] : memref<100000x128xf32, #tpu.memory_space<hbm>> -> memref<100000x128xf32, #tpu.memory_space<hbm>>
    %dma_start3A_62 = tpu.memref_slice %arg7[%dma_start3A_51] : memref<4x!tpu.dma_semaphore, #tpu.memory_space<semaphore_mem>> -> memref<1x!tpu.dma_semaphore, #tpu.memory_space<semaphore_mem>>
    %dma_start3A_63 = tpu.memref_squeeze %dma_start3A_62 : memref<1x!tpu.dma_semaphore, #tpu.memory_space<semaphore_mem>> -> memref<!tpu.dma_semaphore, #tpu.memory_space<semaphore_mem>>
    tpu.enqueue_indirect_dma source(%dma_start3A_61 : memref<100000x128xf32, #tpu.memory_space<hbm>>) target(%dma_start3A_55 : memref<128x128xf32, #tpu.memory_space<vmem>>) offsets(%dma_start3A_58 : memref<128xi32, #tpu.memory_space<vmem>>) semaphore(%dma_start3A_63 : memref<!tpu.dma_semaphore, #tpu.memory_space<semaphore_mem>>)
    %scan3A = arith.constant 0 : i32
    %scan3A_64 = arith.constant 49 : i32
    %scan3A_65 = arith.addi %scan3A, %scan3A_64 : i32
    %scan3A_66 = arith.constant 1 : i32
    scf.for %scan3A_263 = %scan3A to %scan3A_65 step %scan3A_66  : i32 {
      %mul3A_264 = arith.constant 4 : i32
      %mul3A_265 = arith.muli %scan3A_263, %mul3A_264 : i32
      %add3A_266 = arith.constant 0 : i32
      %add3A_267 = arith.addi %add3A_266, %mul3A_265 : i32
      %add3A_268 = arith.constant 0 : i32
      %add3A_269 = arith.addi %add3A_267, %add3A_268 : i32
      %mul3A_270 = arith.constant 128 : i32
      %mul3A_271 = arith.muli %add3A_269, %mul3A_270 : i32
      %add3A_272 = arith.addi %mul3A_2, %mul3A_271 : i32
      %dma_wait3A_273 = arith.constant 0 : i32
      %dma_wait3A_274 = arith.constant 0 : i32
      %dma_wait3A_275 = arith.constant 0 : i32
      %dma_wait3A_276 = arith.constant 0 : i32
      %dma_wait3A_277 = tpu.memref_slice %arg6[%dma_wait3A_273, %dma_wait3A_275, %dma_wait3A_276] : memref<4x128x128xf32, #tpu.memory_space<vmem>> -> memref<1x128x128xf32, #tpu.memory_space<vmem>>
      %dma_wait3A_278 = tpu.memref_squeeze %dma_wait3A_277 : memref<1x128x128xf32, #tpu.memory_space<vmem>> -> memref<128x128xf32, #tpu.memory_space<vmem>>
      %dma_wait3A_279 = arith.constant 0 : i32
      %dma_wait3A_280 = tpu.memref_slice %arg5[%add3A_269, %dma_wait3A_279] : memref<200x128xi32, #tpu.memory_space<vmem>> -> memref<1x128xi32, #tpu.memory_space<vmem>>
      %dma_wait3A_281 = tpu.memref_squeeze %dma_wait3A_280 : memref<1x128xi32, #tpu.memory_space<vmem>> -> memref<128xi32, #tpu.memory_space<vmem>>
      %dma_wait3A_282 = arith.constant 0 : i32
      %dma_wait3A_283 = arith.constant 0 : i32
      %dma_wait3A_284 = tpu.memref_slice %arg2[%dma_wait3A_282, %dma_wait3A_283] : memref<100000x128xf32, #tpu.memory_space<hbm>> -> memref<100000x128xf32, #tpu.memory_space<hbm>>
      %dma_wait3A_285 = tpu.memref_slice %arg7[%dma_wait3A_274] : memref<4x!tpu.dma_semaphore, #tpu.memory_space<semaphore_mem>> -> memref<1x!tpu.dma_semaphore, #tpu.memory_space<semaphore_mem>>
      %dma_wait3A_286 = tpu.memref_squeeze %dma_wait3A_285 : memref<1x!tpu.dma_semaphore, #tpu.memory_space<semaphore_mem>> -> memref<!tpu.dma_semaphore, #tpu.memory_space<semaphore_mem>>
      tpu.wait_indirect_dma semaphore(%dma_wait3A_286 : memref<!tpu.dma_semaphore, #tpu.memory_space<semaphore_mem>>) src(%dma_wait3A_284 : memref<100000x128xf32, #tpu.memory_space<hbm>>) dst(%dma_wait3A_278 : memref<128x128xf32, #tpu.memory_space<vmem>>)
      %dma_start3A_287 = arith.constant 0 : i32
      %dma_start3A_288 = arith.constant 0 : i32
      %dma_start3A_289 = arith.constant 0 : i32
      %dma_start3A_290 = arith.constant 0 : i32
      %dma_start3A_291 = tpu.memref_slice %arg6[%dma_start3A_287, %dma_start3A_289, %dma_start3A_290] : memref<4x128x128xf32, #tpu.memory_space<vmem>> -> memref<1x128x128xf32, #tpu.memory_space<vmem>>
      %dma_start3A_292 = tpu.memref_squeeze %dma_start3A_291 : memref<1x128x128xf32, #tpu.memory_space<vmem>> -> memref<128x128xf32, #tpu.memory_space<vmem>>
      %dma_start3A_293 = arith.constant 0 : i32
      %dma_start3A_294 = tpu.memref_slice %arg4[%add3A_272, %dma_start3A_293] : memref<819200x128xf32, #tpu.memory_space<hbm>> -> memref<128x128xf32, #tpu.memory_space<hbm>>
      %dma_start3A_295 = tpu.memref_slice %arg8[%dma_start3A_288] : memref<4x!tpu.dma_semaphore, #tpu.memory_space<semaphore_mem>> -> memref<1x!tpu.dma_semaphore, #tpu.memory_space<semaphore_mem>>
      %dma_start3A_296 = tpu.memref_squeeze %dma_start3A_295 : memref<1x!tpu.dma_semaphore, #tpu.memory_space<semaphore_mem>> -> memref<!tpu.dma_semaphore, #tpu.memory_space<semaphore_mem>>
      %dma_start3A_297 = arith.constant 0 : i32
      %dma_start3A_298 = tpu.memref_slice %arg4[%add3A_272, %dma_start3A_297] : memref<819200x128xf32, #tpu.memory_space<hbm>> -> memref<128x128xf32, #tpu.memory_space<hbm>>
      %dma_start3A_299 = arith.constant 0 : i32
      %dma_start3A_300 = arith.constant 0 : i32
      %dma_start3A_301 = tpu.memref_slice %arg6[%dma_start3A_287, %dma_start3A_299, %dma_start3A_300] : memref<4x128x128xf32, #tpu.memory_space<vmem>> -> memref<1x128x128xf32, #tpu.memory_space<vmem>>
      %dma_start3A_302 = tpu.memref_squeeze %dma_start3A_301 : memref<1x128x128xf32, #tpu.memory_space<vmem>> -> memref<128x128xf32, #tpu.memory_space<vmem>>
      tpu.enqueue_dma source(%dma_start3A_302 : memref<128x128xf32, #tpu.memory_space<vmem>>) target(%dma_start3A_298 : memref<128x128xf32, #tpu.memory_space<hbm>>) target_semaphore(%dma_start3A_296 : memref<!tpu.dma_semaphore, #tpu.memory_space<semaphore_mem>>)
      %dma_wait3A_303 = arith.constant 0 : i32
      %dma_wait3A_304 = arith.constant 0 : i32
      %dma_wait3A_305 = arith.constant 0 : i32
      %dma_wait3A_306 = arith.constant 0 : i32
      %dma_wait3A_307 = tpu.memref_slice %arg6[%dma_wait3A_303, %dma_wait3A_305, %dma_wait3A_306] : memref<4x128x128xf32, #tpu.memory_space<vmem>> -> memref<1x128x128xf32, #tpu.memory_space<vmem>>
      %dma_wait3A_308 = tpu.memref_squeeze %dma_wait3A_307 : memref<1x128x128xf32, #tpu.memory_space<vmem>> -> memref<128x128xf32, #tpu.memory_space<vmem>>
      %dma_wait3A_309 = arith.constant 0 : i32
      %dma_wait3A_310 = tpu.memref_slice %arg4[%add3A_272, %dma_wait3A_309] : memref<819200x128xf32, #tpu.memory_space<hbm>> -> memref<128x128xf32, #tpu.memory_space<hbm>>
      %dma_wait3A_311 = tpu.memref_slice %arg8[%dma_wait3A_304] : memref<4x!tpu.dma_semaphore, #tpu.memory_space<semaphore_mem>> -> memref<1x!tpu.dma_semaphore, #tpu.memory_space<semaphore_mem>>
      %dma_wait3A_312 = tpu.memref_squeeze %dma_wait3A_311 : memref<1x!tpu.dma_semaphore, #tpu.memory_space<semaphore_mem>> -> memref<!tpu.dma_semaphore, #tpu.memory_space<semaphore_mem>>
      %dma_wait3A_313 = arith.constant 0 : i32
      %dma_wait3A_314 = tpu.memref_slice %arg4[%add3A_272, %dma_wait3A_313] : memref<819200x128xf32, #tpu.memory_space<hbm>> -> memref<128x128xf32, #tpu.memory_space<hbm>>
      %dma_wait3A_315 = arith.constant 0 : i32
      %dma_wait3A_316 = arith.constant 0 : i32
      %dma_wait3A_317 = tpu.memref_slice %arg6[%dma_wait3A_303, %dma_wait3A_315, %dma_wait3A_316] : memref<4x128x128xf32, #tpu.memory_space<vmem>> -> memref<1x128x128xf32, #tpu.memory_space<vmem>>
      %dma_wait3A_318 = tpu.memref_squeeze %dma_wait3A_317 : memref<1x128x128xf32, #tpu.memory_space<vmem>> -> memref<128x128xf32, #tpu.memory_space<vmem>>
      tpu.wait_dma2 semaphore(%dma_wait3A_312 : memref<!tpu.dma_semaphore, #tpu.memory_space<semaphore_mem>>) src(%dma_wait3A_318 : memref<128x128xf32, #tpu.memory_space<vmem>>) dst(%dma_wait3A_314 : memref<128x128xf32, #tpu.memory_space<hbm>>)
      %add3A_319 = arith.constant 4 : i32
      %add3A_320 = arith.addi %add3A_269, %add3A_319 : i32
      %dma_start3A_321 = arith.constant 0 : i32
      %dma_start3A_322 = arith.constant 0 : i32
      %dma_start3A_323 = arith.constant 0 : i32
      %dma_start3A_324 = arith.constant 0 : i32
      %dma_start3A_325 = tpu.memref_slice %arg6[%dma_start3A_321, %dma_start3A_323, %dma_start3A_324] : memref<4x128x128xf32, #tpu.memory_space<vmem>> -> memref<1x128x128xf32, #tpu.memory_space<vmem>>
      %dma_start3A_326 = tpu.memref_squeeze %dma_start3A_325 : memref<1x128x128xf32, #tpu.memory_space<vmem>> -> memref<128x128xf32, #tpu.memory_space<vmem>>
      %dma_start3A_327 = arith.constant 0 : i32
      %dma_start3A_328 = tpu.memref_slice %arg5[%add3A_320, %dma_start3A_327] : memref<200x128xi32, #tpu.memory_space<vmem>> -> memref<1x128xi32, #tpu.memory_space<vmem>>
      %dma_start3A_329 = tpu.memref_squeeze %dma_start3A_328 : memref<1x128xi32, #tpu.memory_space<vmem>> -> memref<128xi32, #tpu.memory_space<vmem>>
      %dma_start3A_330 = arith.constant 0 : i32
      %dma_start3A_331 = arith.constant 0 : i32
      %dma_start3A_332 = tpu.memref_slice %arg2[%dma_start3A_330, %dma_start3A_331] : memref<100000x128xf32, #tpu.memory_space<hbm>> -> memref<100000x128xf32, #tpu.memory_space<hbm>>
      %dma_start3A_333 = tpu.memref_slice %arg7[%dma_start3A_322] : memref<4x!tpu.dma_semaphore, #tpu.memory_space<semaphore_mem>> -> memref<1x!tpu.dma_semaphore, #tpu.memory_space<semaphore_mem>>
      %dma_start3A_334 = tpu.memref_squeeze %dma_start3A_333 : memref<1x!tpu.dma_semaphore, #tpu.memory_space<semaphore_mem>> -> memref<!tpu.dma_semaphore, #tpu.memory_space<semaphore_mem>>
      tpu.enqueue_indirect_dma source(%dma_start3A_332 : memref<100000x128xf32, #tpu.memory_space<hbm>>) target(%dma_start3A_326 : memref<128x128xf32, #tpu.memory_space<vmem>>) offsets(%dma_start3A_329 : memref<128xi32, #tpu.memory_space<vmem>>) semaphore(%dma_start3A_334 : memref<!tpu.dma_semaphore, #tpu.memory_space<semaphore_mem>>)
      %add3A_335 = arith.constant 1 : i32
      %add3A_336 = arith.addi %add3A_267, %add3A_335 : i32
      %mul3A_337 = arith.constant 128 : i32
      %mul3A_338 = arith.muli %add3A_336, %mul3A_337 : i32
      %add3A_339 = arith.addi %mul3A_2, %mul3A_338 : i32
      %dma_wait3A_340 = arith.constant 1 : i32
      %dma_wait3A_341 = arith.constant 1 : i32
      %dma_wait3A_342 = arith.constant 0 : i32
      %dma_wait3A_343 = arith.constant 0 : i32
      %dma_wait3A_344 = tpu.memref_slice %arg6[%dma_wait3A_340, %dma_wait3A_342, %dma_wait3A_343] : memref<4x128x128xf32, #tpu.memory_space<vmem>> -> memref<1x128x128xf32, #tpu.memory_space<vmem>>
      %dma_wait3A_345 = tpu.memref_squeeze %dma_wait3A_344 : memref<1x128x128xf32, #tpu.memory_space<vmem>> -> memref<128x128xf32, #tpu.memory_space<vmem>>
      %dma_wait3A_346 = arith.constant 0 : i32
      %dma_wait3A_347 = tpu.memref_slice %arg5[%add3A_336, %dma_wait3A_346] : memref<200x128xi32, #tpu.memory_space<vmem>> -> memref<1x128xi32, #tpu.memory_space<vmem>>
      %dma_wait3A_348 = tpu.memref_squeeze %dma_wait3A_347 : memref<1x128xi32, #tpu.memory_space<vmem>> -> memref<128xi32, #tpu.memory_space<vmem>>
      %dma_wait3A_349 = arith.constant 0 : i32
      %dma_wait3A_350 = arith.constant 0 : i32
      %dma_wait3A_351 = tpu.memref_slice %arg2[%dma_wait3A_349, %dma_wait3A_350] : memref<100000x128xf32, #tpu.memory_space<hbm>> -> memref<100000x128xf32, #tpu.memory_space<hbm>>
      %dma_wait3A_352 = tpu.memref_slice %arg7[%dma_wait3A_341] : memref<4x!tpu.dma_semaphore, #tpu.memory_space<semaphore_mem>> -> memref<1x!tpu.dma_semaphore, #tpu.memory_space<semaphore_mem>>
      %dma_wait3A_353 = tpu.memref_squeeze %dma_wait3A_352 : memref<1x!tpu.dma_semaphore, #tpu.memory_space<semaphore_mem>> -> memref<!tpu.dma_semaphore, #tpu.memory_space<semaphore_mem>>
      tpu.wait_indirect_dma semaphore(%dma_wait3A_353 : memref<!tpu.dma_semaphore, #tpu.memory_space<semaphore_mem>>) src(%dma_wait3A_351 : memref<100000x128xf32, #tpu.memory_space<hbm>>) dst(%dma_wait3A_345 : memref<128x128xf32, #tpu.memory_space<vmem>>)
      %dma_start3A_354 = arith.constant 1 : i32
      %dma_start3A_355 = arith.constant 1 : i32
      %dma_start3A_356 = arith.constant 0 : i32
      %dma_start3A_357 = arith.constant 0 : i32
      %dma_start3A_358 = tpu.memref_slice %arg6[%dma_start3A_354, %dma_start3A_356, %dma_start3A_357] : memref<4x128x128xf32, #tpu.memory_space<vmem>> -> memref<1x128x128xf32, #tpu.memory_space<vmem>>
      %dma_start3A_359 = tpu.memref_squeeze %dma_start3A_358 : memref<1x128x128xf32, #tpu.memory_space<vmem>> -> memref<128x128xf32, #tpu.memory_space<vmem>>
      %dma_start3A_360 = arith.constant 0 : i32
      %dma_start3A_361 = tpu.memref_slice %arg4[%add3A_339, %dma_start3A_360] : memref<819200x128xf32, #tpu.memory_space<hbm>> -> memref<128x128xf32, #tpu.memory_space<hbm>>
      %dma_start3A_362 = tpu.memref_slice %arg8[%dma_start3A_355] : memref<4x!tpu.dma_semaphore, #tpu.memory_space<semaphore_mem>> -> memref<1x!tpu.dma_semaphore, #tpu.memory_space<semaphore_mem>>
      %dma_start3A_363 = tpu.memref_squeeze %dma_start3A_362 : memref<1x!tpu.dma_semaphore, #tpu.memory_space<semaphore_mem>> -> memref<!tpu.dma_semaphore, #tpu.memory_space<semaphore_mem>>
      %dma_start3A_364 = arith.constant 0 : i32
      %dma_start3A_365 = tpu.memref_slice %arg4[%add3A_339, %dma_start3A_364] : memref<819200x128xf32, #tpu.memory_space<hbm>> -> memref<128x128xf32, #tpu.memory_space<hbm>>
      %dma_start3A_366 = arith.constant 0 : i32
      %dma_start3A_367 = arith.constant 0 : i32
      %dma_start3A_368 = tpu.memref_slice %arg6[%dma_start3A_354, %dma_start3A_366, %dma_start3A_367] : memref<4x128x128xf32, #tpu.memory_space<vmem>> -> memref<1x128x128xf32, #tpu.memory_space<vmem>>
      %dma_start3A_369 = tpu.memref_squeeze %dma_start3A_368 : memref<1x128x128xf32, #tpu.memory_space<vmem>> -> memref<128x128xf32, #tpu.memory_space<vmem>>
      tpu.enqueue_dma source(%dma_start3A_369 : memref<128x128xf32, #tpu.memory_space<vmem>>) target(%dma_start3A_365 : memref<128x128xf32, #tpu.memory_space<hbm>>) target_semaphore(%dma_start3A_363 : memref<!tpu.dma_semaphore, #tpu.memory_space<semaphore_mem>>)
      %dma_wait3A_370 = arith.constant 1 : i32
      %dma_wait3A_371 = arith.constant 1 : i32
      %dma_wait3A_372 = arith.constant 0 : i32
      %dma_wait3A_373 = arith.constant 0 : i32
      %dma_wait3A_374 = tpu.memref_slice %arg6[%dma_wait3A_370, %dma_wait3A_372, %dma_wait3A_373] : memref<4x128x128xf32, #tpu.memory_space<vmem>> -> memref<1x128x128xf32, #tpu.memory_space<vmem>>
      %dma_wait3A_375 = tpu.memref_squeeze %dma_wait3A_374 : memref<1x128x128xf32, #tpu.memory_space<vmem>> -> memref<128x128xf32, #tpu.memory_space<vmem>>
      %dma_wait3A_376 = arith.constant 0 : i32
      %dma_wait3A_377 = tpu.memref_slice %arg4[%add3A_339, %dma_wait3A_376] : memref<819200x128xf32, #tpu.memory_space<hbm>> -> memref<128x128xf32, #tpu.memory_space<hbm>>
      %dma_wait3A_378 = tpu.memref_slice %arg8[%dma_wait3A_371] : memref<4x!tpu.dma_semaphore, #tpu.memory_space<semaphore_mem>> -> memref<1x!tpu.dma_semaphore, #tpu.memory_space<semaphore_mem>>
      %dma_wait3A_379 = tpu.memref_squeeze %dma_wait3A_378 : memref<1x!tpu.dma_semaphore, #tpu.memory_space<semaphore_mem>> -> memref<!tpu.dma_semaphore, #tpu.memory_space<semaphore_mem>>
      %dma_wait3A_380 = arith.constant 0 : i32
      %dma_wait3A_381 = tpu.memref_slice %arg4[%add3A_339, %dma_wait3A_380] : memref<819200x128xf32, #tpu.memory_space<hbm>> -> memref<128x128xf32, #tpu.memory_space<hbm>>
      %dma_wait3A_382 = arith.constant 0 : i32
      %dma_wait3A_383 = arith.constant 0 : i32
      %dma_wait3A_384 = tpu.memref_slice %arg6[%dma_wait3A_370, %dma_wait3A_382, %dma_wait3A_383] : memref<4x128x128xf32, #tpu.memory_space<vmem>> -> memref<1x128x128xf32, #tpu.memory_space<vmem>>
      %dma_wait3A_385 = tpu.memref_squeeze %dma_wait3A_384 : memref<1x128x128xf32, #tpu.memory_space<vmem>> -> memref<128x128xf32, #tpu.memory_space<vmem>>
      tpu.wait_dma2 semaphore(%dma_wait3A_379 : memref<!tpu.dma_semaphore, #tpu.memory_space<semaphore_mem>>) src(%dma_wait3A_385 : memref<128x128xf32, #tpu.memory_space<vmem>>) dst(%dma_wait3A_381 : memref<128x128xf32, #tpu.memory_space<hbm>>)
      %add3A_386 = arith.constant 4 : i32
      %add3A_387 = arith.addi %add3A_336, %add3A_386 : i32
      %dma_start3A_388 = arith.constant 1 : i32
      %dma_start3A_389 = arith.constant 1 : i32
      %dma_start3A_390 = arith.constant 0 : i32
      %dma_start3A_391 = arith.constant 0 : i32
      %dma_start3A_392 = tpu.memref_slice %arg6[%dma_start3A_388, %dma_start3A_390, %dma_start3A_391] : memref<4x128x128xf32, #tpu.memory_space<vmem>> -> memref<1x128x128xf32, #tpu.memory_space<vmem>>
      %dma_start3A_393 = tpu.memref_squeeze %dma_start3A_392 : memref<1x128x128xf32, #tpu.memory_space<vmem>> -> memref<128x128xf32, #tpu.memory_space<vmem>>
      %dma_start3A_394 = arith.constant 0 : i32
      %dma_start3A_395 = tpu.memref_slice %arg5[%add3A_387, %dma_start3A_394] : memref<200x128xi32, #tpu.memory_space<vmem>> -> memref<1x128xi32, #tpu.memory_space<vmem>>
      %dma_start3A_396 = tpu.memref_squeeze %dma_start3A_395 : memref<1x128xi32, #tpu.memory_space<vmem>> -> memref<128xi32, #tpu.memory_space<vmem>>
      %dma_start3A_397 = arith.constant 0 : i32
      %dma_start3A_398 = arith.constant 0 : i32
      %dma_start3A_399 = tpu.memref_slice %arg2[%dma_start3A_397, %dma_start3A_398] : memref<100000x128xf32, #tpu.memory_space<hbm>> -> memref<100000x128xf32, #tpu.memory_space<hbm>>
      %dma_start3A_400 = tpu.memref_slice %arg7[%dma_start3A_389] : memref<4x!tpu.dma_semaphore, #tpu.memory_space<semaphore_mem>> -> memref<1x!tpu.dma_semaphore, #tpu.memory_space<semaphore_mem>>
      %dma_start3A_401 = tpu.memref_squeeze %dma_start3A_400 : memref<1x!tpu.dma_semaphore, #tpu.memory_space<semaphore_mem>> -> memref<!tpu.dma_semaphore, #tpu.memory_space<semaphore_mem>>
      tpu.enqueue_indirect_dma source(%dma_start3A_399 : memref<100000x128xf32, #tpu.memory_space<hbm>>) target(%dma_start3A_393 : memref<128x128xf32, #tpu.memory_space<vmem>>) offsets(%dma_start3A_396 : memref<128xi32, #tpu.memory_space<vmem>>) semaphore(%dma_start3A_401 : memref<!tpu.dma_semaphore, #tpu.memory_space<semaphore_mem>>)
      %add3A_402 = arith.constant 2 : i32
      %add3A_403 = arith.addi %add3A_267, %add3A_402 : i32
      %mul3A_404 = arith.constant 128 : i32
      %mul3A_405 = arith.muli %add3A_403, %mul3A_404 : i32
      %add3A_406 = arith.addi %mul3A_2, %mul3A_405 : i32
      %dma_wait3A_407 = arith.constant 2 : i32
      %dma_wait3A_408 = arith.constant 2 : i32
      %dma_wait3A_409 = arith.constant 0 : i32
      %dma_wait3A_410 = arith.constant 0 : i32
      %dma_wait3A_411 = tpu.memref_slice %arg6[%dma_wait3A_407, %dma_wait3A_409, %dma_wait3A_410] : memref<4x128x128xf32, #tpu.memory_space<vmem>> -> memref<1x128x128xf32, #tpu.memory_space<vmem>>
      %dma_wait3A_412 = tpu.memref_squeeze %dma_wait3A_411 : memref<1x128x128xf32, #tpu.memory_space<vmem>> -> memref<128x128xf32, #tpu.memory_space<vmem>>
      %dma_wait3A_413 = arith.constant 0 : i32
      %dma_wait3A_414 = tpu.memref_slice %arg5[%add3A_403, %dma_wait3A_413] : memref<200x128xi32, #tpu.memory_space<vmem>> -> memref<1x128xi32, #tpu.memory_space<vmem>>
      %dma_wait3A_415 = tpu.memref_squeeze %dma_wait3A_414 : memref<1x128xi32, #tpu.memory_space<vmem>> -> memref<128xi32, #tpu.memory_space<vmem>>
      %dma_wait3A_416 = arith.constant 0 : i32
      %dma_wait3A_417 = arith.constant 0 : i32
      %dma_wait3A_418 = tpu.memref_slice %arg2[%dma_wait3A_416, %dma_wait3A_417] : memref<100000x128xf32, #tpu.memory_space<hbm>> -> memref<100000x128xf32, #tpu.memory_space<hbm>>
      %dma_wait3A_419 = tpu.memref_slice %arg7[%dma_wait3A_408] : memref<4x!tpu.dma_semaphore, #tpu.memory_space<semaphore_mem>> -> memref<1x!tpu.dma_semaphore, #tpu.memory_space<semaphore_mem>>
      %dma_wait3A_420 = tpu.memref_squeeze %dma_wait3A_419 : memref<1x!tpu.dma_semaphore, #tpu.memory_space<semaphore_mem>> -> memref<!tpu.dma_semaphore, #tpu.memory_space<semaphore_mem>>
      tpu.wait_indirect_dma semaphore(%dma_wait3A_420 : memref<!tpu.dma_semaphore, #tpu.memory_space<semaphore_mem>>) src(%dma_wait3A_418 : memref<100000x128xf32, #tpu.memory_space<hbm>>) dst(%dma_wait3A_412 : memref<128x128xf32, #tpu.memory_space<vmem>>)
      %dma_start3A_421 = arith.constant 2 : i32
      %dma_start3A_422 = arith.constant 2 : i32
      %dma_start3A_423 = arith.constant 0 : i32
      %dma_start3A_424 = arith.constant 0 : i32
      %dma_start3A_425 = tpu.memref_slice %arg6[%dma_start3A_421, %dma_start3A_423, %dma_start3A_424] : memref<4x128x128xf32, #tpu.memory_space<vmem>> -> memref<1x128x128xf32, #tpu.memory_space<vmem>>
      %dma_start3A_426 = tpu.memref_squeeze %dma_start3A_425 : memref<1x128x128xf32, #tpu.memory_space<vmem>> -> memref<128x128xf32, #tpu.memory_space<vmem>>
      %dma_start3A_427 = arith.constant 0 : i32
      %dma_start3A_428 = tpu.memref_slice %arg4[%add3A_406, %dma_start3A_427] : memref<819200x128xf32, #tpu.memory_space<hbm>> -> memref<128x128xf32, #tpu.memory_space<hbm>>
      %dma_start3A_429 = tpu.memref_slice %arg8[%dma_start3A_422] : memref<4x!tpu.dma_semaphore, #tpu.memory_space<semaphore_mem>> -> memref<1x!tpu.dma_semaphore, #tpu.memory_space<semaphore_mem>>
      %dma_start3A_430 = tpu.memref_squeeze %dma_start3A_429 : memref<1x!tpu.dma_semaphore, #tpu.memory_space<semaphore_mem>> -> memref<!tpu.dma_semaphore, #tpu.memory_space<semaphore_mem>>
      %dma_start3A_431 = arith.constant 0 : i32
      %dma_start3A_432 = tpu.memref_slice %arg4[%add3A_406, %dma_start3A_431] : memref<819200x128xf32, #tpu.memory_space<hbm>> -> memref<128x128xf32, #tpu.memory_space<hbm>>
      %dma_start3A_433 = arith.constant 0 : i32
      %dma_start3A_434 = arith.constant 0 : i32
      %dma_start3A_435 = tpu.memref_slice %arg6[%dma_start3A_421, %dma_start3A_433, %dma_start3A_434] : memref<4x128x128xf32, #tpu.memory_space<vmem>> -> memref<1x128x128xf32, #tpu.memory_space<vmem>>
      %dma_start3A_436 = tpu.memref_squeeze %dma_start3A_435 : memref<1x128x128xf32, #tpu.memory_space<vmem>> -> memref<128x128xf32, #tpu.memory_space<vmem>>
      tpu.enqueue_dma source(%dma_start3A_436 : memref<128x128xf32, #tpu.memory_space<vmem>>) target(%dma_start3A_432 : memref<128x128xf32, #tpu.memory_space<hbm>>) target_semaphore(%dma_start3A_430 : memref<!tpu.dma_semaphore, #tpu.memory_space<semaphore_mem>>)
      %dma_wait3A_437 = arith.constant 2 : i32
      %dma_wait3A_438 = arith.constant 2 : i32
      %dma_wait3A_439 = arith.constant 0 : i32
      %dma_wait3A_440 = arith.constant 0 : i32
      %dma_wait3A_441 = tpu.memref_slice %arg6[%dma_wait3A_437, %dma_wait3A_439, %dma_wait3A_440] : memref<4x128x128xf32, #tpu.memory_space<vmem>> -> memref<1x128x128xf32, #tpu.memory_space<vmem>>
      %dma_wait3A_442 = tpu.memref_squeeze %dma_wait3A_441 : memref<1x128x128xf32, #tpu.memory_space<vmem>> -> memref<128x128xf32, #tpu.memory_space<vmem>>
      %dma_wait3A_443 = arith.constant 0 : i32
      %dma_wait3A_444 = tpu.memref_slice %arg4[%add3A_406, %dma_wait3A_443] : memref<819200x128xf32, #tpu.memory_space<hbm>> -> memref<128x128xf32, #tpu.memory_space<hbm>>
      %dma_wait3A_445 = tpu.memref_slice %arg8[%dma_wait3A_438] : memref<4x!tpu.dma_semaphore, #tpu.memory_space<semaphore_mem>> -> memref<1x!tpu.dma_semaphore, #tpu.memory_space<semaphore_mem>>
      %dma_wait3A_446 = tpu.memref_squeeze %dma_wait3A_445 : memref<1x!tpu.dma_semaphore, #tpu.memory_space<semaphore_mem>> -> memref<!tpu.dma_semaphore, #tpu.memory_space<semaphore_mem>>
      %dma_wait3A_447 = arith.constant 0 : i32
      %dma_wait3A_448 = tpu.memref_slice %arg4[%add3A_406, %dma_wait3A_447] : memref<819200x128xf32, #tpu.memory_space<hbm>> -> memref<128x128xf32, #tpu.memory_space<hbm>>
      %dma_wait3A_449 = arith.constant 0 : i32
      %dma_wait3A_450 = arith.constant 0 : i32
      %dma_wait3A_451 = tpu.memref_slice %arg6[%dma_wait3A_437, %dma_wait3A_449, %dma_wait3A_450] : memref<4x128x128xf32, #tpu.memory_space<vmem>> -> memref<1x128x128xf32, #tpu.memory_space<vmem>>
      %dma_wait3A_452 = tpu.memref_squeeze %dma_wait3A_451 : memref<1x128x128xf32, #tpu.memory_space<vmem>> -> memref<128x128xf32, #tpu.memory_space<vmem>>
      tpu.wait_dma2 semaphore(%dma_wait3A_446 : memref<!tpu.dma_semaphore, #tpu.memory_space<semaphore_mem>>) src(%dma_wait3A_452 : memref<128x128xf32, #tpu.memory_space<vmem>>) dst(%dma_wait3A_448 : memref<128x128xf32, #tpu.memory_space<hbm>>)
      %add3A_453 = arith.constant 4 : i32
      %add3A_454 = arith.addi %add3A_403, %add3A_453 : i32
      %dma_start3A_455 = arith.constant 2 : i32
      %dma_start3A_456 = arith.constant 2 : i32
      %dma_start3A_457 = arith.constant 0 : i32
      %dma_start3A_458 = arith.constant 0 : i32
      %dma_start3A_459 = tpu.memref_slice %arg6[%dma_start3A_455, %dma_start3A_457, %dma_start3A_458] : memref<4x128x128xf32, #tpu.memory_space<vmem>> -> memref<1x128x128xf32, #tpu.memory_space<vmem>>
      %dma_start3A_460 = tpu.memref_squeeze %dma_start3A_459 : memref<1x128x128xf32, #tpu.memory_space<vmem>> -> memref<128x128xf32, #tpu.memory_space<vmem>>
      %dma_start3A_461 = arith.constant 0 : i32
      %dma_start3A_462 = tpu.memref_slice %arg5[%add3A_454, %dma_start3A_461] : memref<200x128xi32, #tpu.memory_space<vmem>> -> memref<1x128xi32, #tpu.memory_space<vmem>>
      %dma_start3A_463 = tpu.memref_squeeze %dma_start3A_462 : memref<1x128xi32, #tpu.memory_space<vmem>> -> memref<128xi32, #tpu.memory_space<vmem>>
      %dma_start3A_464 = arith.constant 0 : i32
      %dma_start3A_465 = arith.constant 0 : i32
      %dma_start3A_466 = tpu.memref_slice %arg2[%dma_start3A_464, %dma_start3A_465] : memref<100000x128xf32, #tpu.memory_space<hbm>> -> memref<100000x128xf32, #tpu.memory_space<hbm>>
      %dma_start3A_467 = tpu.memref_slice %arg7[%dma_start3A_456] : memref<4x!tpu.dma_semaphore, #tpu.memory_space<semaphore_mem>> -> memref<1x!tpu.dma_semaphore, #tpu.memory_space<semaphore_mem>>
      %dma_start3A_468 = tpu.memref_squeeze %dma_start3A_467 : memref<1x!tpu.dma_semaphore, #tpu.memory_space<semaphore_mem>> -> memref<!tpu.dma_semaphore, #tpu.memory_space<semaphore_mem>>
      tpu.enqueue_indirect_dma source(%dma_start3A_466 : memref<100000x128xf32, #tpu.memory_space<hbm>>) target(%dma_start3A_460 : memref<128x128xf32, #tpu.memory_space<vmem>>) offsets(%dma_start3A_463 : memref<128xi32, #tpu.memory_space<vmem>>) semaphore(%dma_start3A_468 : memref<!tpu.dma_semaphore, #tpu.memory_space<semaphore_mem>>)
      %add3A_469 = arith.constant 3 : i32
      %add3A_470 = arith.addi %add3A_267, %add3A_469 : i32
      %mul3A_471 = arith.constant 128 : i32
      %mul3A_472 = arith.muli %add3A_470, %mul3A_471 : i32
      %add3A_473 = arith.addi %mul3A_2, %mul3A_472 : i32
      %dma_wait3A_474 = arith.constant 3 : i32
      %dma_wait3A_475 = arith.constant 3 : i32
      %dma_wait3A_476 = arith.constant 0 : i32
      %dma_wait3A_477 = arith.constant 0 : i32
      %dma_wait3A_478 = tpu.memref_slice %arg6[%dma_wait3A_474, %dma_wait3A_476, %dma_wait3A_477] : memref<4x128x128xf32, #tpu.memory_space<vmem>> -> memref<1x128x128xf32, #tpu.memory_space<vmem>>
      %dma_wait3A_479 = tpu.memref_squeeze %dma_wait3A_478 : memref<1x128x128xf32, #tpu.memory_space<vmem>> -> memref<128x128xf32, #tpu.memory_space<vmem>>
      %dma_wait3A_480 = arith.constant 0 : i32
      %dma_wait3A_481 = tpu.memref_slice %arg5[%add3A_470, %dma_wait3A_480] : memref<200x128xi32, #tpu.memory_space<vmem>> -> memref<1x128xi32, #tpu.memory_space<vmem>>
      %dma_wait3A_482 = tpu.memref_squeeze %dma_wait3A_481 : memref<1x128xi32, #tpu.memory_space<vmem>> -> memref<128xi32, #tpu.memory_space<vmem>>
      %dma_wait3A_483 = arith.constant 0 : i32
      %dma_wait3A_484 = arith.constant 0 : i32
      %dma_wait3A_485 = tpu.memref_slice %arg2[%dma_wait3A_483, %dma_wait3A_484] : memref<100000x128xf32, #tpu.memory_space<hbm>> -> memref<100000x128xf32, #tpu.memory_space<hbm>>
      %dma_wait3A_486 = tpu.memref_slice %arg7[%dma_wait3A_475] : memref<4x!tpu.dma_semaphore, #tpu.memory_space<semaphore_mem>> -> memref<1x!tpu.dma_semaphore, #tpu.memory_space<semaphore_mem>>
      %dma_wait3A_487 = tpu.memref_squeeze %dma_wait3A_486 : memref<1x!tpu.dma_semaphore, #tpu.memory_space<semaphore_mem>> -> memref<!tpu.dma_semaphore, #tpu.memory_space<semaphore_mem>>
      tpu.wait_indirect_dma semaphore(%dma_wait3A_487 : memref<!tpu.dma_semaphore, #tpu.memory_space<semaphore_mem>>) src(%dma_wait3A_485 : memref<100000x128xf32, #tpu.memory_space<hbm>>) dst(%dma_wait3A_479 : memref<128x128xf32, #tpu.memory_space<vmem>>)
      %dma_start3A_488 = arith.constant 3 : i32
      %dma_start3A_489 = arith.constant 3 : i32
      %dma_start3A_490 = arith.constant 0 : i32
      %dma_start3A_491 = arith.constant 0 : i32
      %dma_start3A_492 = tpu.memref_slice %arg6[%dma_start3A_488, %dma_start3A_490, %dma_start3A_491] : memref<4x128x128xf32, #tpu.memory_space<vmem>> -> memref<1x128x128xf32, #tpu.memory_space<vmem>>
      %dma_start3A_493 = tpu.memref_squeeze %dma_start3A_492 : memref<1x128x128xf32, #tpu.memory_space<vmem>> -> memref<128x128xf32, #tpu.memory_space<vmem>>
      %dma_start3A_494 = arith.constant 0 : i32
      %dma_start3A_495 = tpu.memref_slice %arg4[%add3A_473, %dma_start3A_494] : memref<819200x128xf32, #tpu.memory_space<hbm>> -> memref<128x128xf32, #tpu.memory_space<hbm>>
      %dma_start3A_496 = tpu.memref_slice %arg8[%dma_start3A_489] : memref<4x!tpu.dma_semaphore, #tpu.memory_space<semaphore_mem>> -> memref<1x!tpu.dma_semaphore, #tpu.memory_space<semaphore_mem>>
      %dma_start3A_497 = tpu.memref_squeeze %dma_start3A_496 : memref<1x!tpu.dma_semaphore, #tpu.memory_space<semaphore_mem>> -> memref<!tpu.dma_semaphore, #tpu.memory_space<semaphore_mem>>
      %dma_start3A_498 = arith.constant 0 : i32
      %dma_start3A_499 = tpu.memref_slice %arg4[%add3A_473, %dma_start3A_498] : memref<819200x128xf32, #tpu.memory_space<hbm>> -> memref<128x128xf32, #tpu.memory_space<hbm>>
      %dma_start3A_500 = arith.constant 0 : i32
      %dma_start3A_501 = arith.constant 0 : i32
      %dma_start3A_502 = tpu.memref_slice %arg6[%dma_start3A_488, %dma_start3A_500, %dma_start3A_501] : memref<4x128x128xf32, #tpu.memory_space<vmem>> -> memref<1x128x128xf32, #tpu.memory_space<vmem>>
      %dma_start3A_503 = tpu.memref_squeeze %dma_start3A_502 : memref<1x128x128xf32, #tpu.memory_space<vmem>> -> memref<128x128xf32, #tpu.memory_space<vmem>>
      tpu.enqueue_dma source(%dma_start3A_503 : memref<128x128xf32, #tpu.memory_space<vmem>>) target(%dma_start3A_499 : memref<128x128xf32, #tpu.memory_space<hbm>>) target_semaphore(%dma_start3A_497 : memref<!tpu.dma_semaphore, #tpu.memory_space<semaphore_mem>>)
      %dma_wait3A_504 = arith.constant 3 : i32
      %dma_wait3A_505 = arith.constant 3 : i32
      %dma_wait3A_506 = arith.constant 0 : i32
      %dma_wait3A_507 = arith.constant 0 : i32
      %dma_wait3A_508 = tpu.memref_slice %arg6[%dma_wait3A_504, %dma_wait3A_506, %dma_wait3A_507] : memref<4x128x128xf32, #tpu.memory_space<vmem>> -> memref<1x128x128xf32, #tpu.memory_space<vmem>>
      %dma_wait3A_509 = tpu.memref_squeeze %dma_wait3A_508 : memref<1x128x128xf32, #tpu.memory_space<vmem>> -> memref<128x128xf32, #tpu.memory_space<vmem>>
      %dma_wait3A_510 = arith.constant 0 : i32
      %dma_wait3A_511 = tpu.memref_slice %arg4[%add3A_473, %dma_wait3A_510] : memref<819200x128xf32, #tpu.memory_space<hbm>> -> memref<128x128xf32, #tpu.memory_space<hbm>>
      %dma_wait3A_512 = tpu.memref_slice %arg8[%dma_wait3A_505] : memref<4x!tpu.dma_semaphore, #tpu.memory_space<semaphore_mem>> -> memref<1x!tpu.dma_semaphore, #tpu.memory_space<semaphore_mem>>
      %dma_wait3A_513 = tpu.memref_squeeze %dma_wait3A_512 : memref<1x!tpu.dma_semaphore, #tpu.memory_space<semaphore_mem>> -> memref<!tpu.dma_semaphore, #tpu.memory_space<semaphore_mem>>
      %dma_wait3A_514 = arith.constant 0 : i32
      %dma_wait3A_515 = tpu.memref_slice %arg4[%add3A_473, %dma_wait3A_514] : memref<819200x128xf32, #tpu.memory_space<hbm>> -> memref<128x128xf32, #tpu.memory_space<hbm>>
      %dma_wait3A_516 = arith.constant 0 : i32
      %dma_wait3A_517 = arith.constant 0 : i32
      %dma_wait3A_518 = tpu.memref_slice %arg6[%dma_wait3A_504, %dma_wait3A_516, %dma_wait3A_517] : memref<4x128x128xf32, #tpu.memory_space<vmem>> -> memref<1x128x128xf32, #tpu.memory_space<vmem>>
      %dma_wait3A_519 = tpu.memref_squeeze %dma_wait3A_518 : memref<1x128x128xf32, #tpu.memory_space<vmem>> -> memref<128x128xf32, #tpu.memory_space<vmem>>
      tpu.wait_dma2 semaphore(%dma_wait3A_513 : memref<!tpu.dma_semaphore, #tpu.memory_space<semaphore_mem>>) src(%dma_wait3A_519 : memref<128x128xf32, #tpu.memory_space<vmem>>) dst(%dma_wait3A_515 : memref<128x128xf32, #tpu.memory_space<hbm>>)
      %add3A_520 = arith.constant 4 : i32
      %add3A_521 = arith.addi %add3A_470, %add3A_520 : i32
      %dma_start3A_522 = arith.constant 3 : i32
      %dma_start3A_523 = arith.constant 3 : i32
      %dma_start3A_524 = arith.constant 0 : i32
      %dma_start3A_525 = arith.constant 0 : i32
      %dma_start3A_526 = tpu.memref_slice %arg6[%dma_start3A_522, %dma_start3A_524, %dma_start3A_525] : memref<4x128x128xf32, #tpu.memory_space<vmem>> -> memref<1x128x128xf32, #tpu.memory_space<vmem>>
      %dma_start3A_527 = tpu.memref_squeeze %dma_start3A_526 : memref<1x128x128xf32, #tpu.memory_space<vmem>> -> memref<128x128xf32, #tpu.memory_space<vmem>>
      %dma_start3A_528 = arith.constant 0 : i32
      %dma_start3A_529 = tpu.memref_slice %arg5[%add3A_521, %dma_start3A_528] : memref<200x128xi32, #tpu.memory_space<vmem>> -> memref<1x128xi32, #tpu.memory_space<vmem>>
      %dma_start3A_530 = tpu.memref_squeeze %dma_start3A_529 : memref<1x128xi32, #tpu.memory_space<vmem>> -> memref<128xi32, #tpu.memory_space<vmem>>
      %dma_start3A_531 = arith.constant 0 : i32
      %dma_start3A_532 = arith.constant 0 : i32
      %dma_start3A_533 = tpu.memref_slice %arg2[%dma_start3A_531, %dma_start3A_532] : memref<100000x128xf32, #tpu.memory_space<hbm>> -> memref<100000x128xf32, #tpu.memory_space<hbm>>
      %dma_start3A_534 = tpu.memref_slice %arg7[%dma_start3A_523] : memref<4x!tpu.dma_semaphore, #tpu.memory_space<semaphore_mem>> -> memref<1x!tpu.dma_semaphore, #tpu.memory_space<semaphore_mem>>
      %dma_start3A_535 = tpu.memref_squeeze %dma_start3A_534 : memref<1x!tpu.dma_semaphore, #tpu.memory_space<semaphore_mem>> -> memref<!tpu.dma_semaphore, #tpu.memory_space<semaphore_mem>>
      tpu.enqueue_indirect_dma source(%dma_start3A_533 : memref<100000x128xf32, #tpu.memory_space<hbm>>) target(%dma_start3A_527 : memref<128x128xf32, #tpu.memory_space<vmem>>) offsets(%dma_start3A_530 : memref<128xi32, #tpu.memory_space<vmem>>) semaphore(%dma_start3A_535 : memref<!tpu.dma_semaphore, #tpu.memory_space<semaphore_mem>>)
    }
    %scan3A_67 = arith.constant 49 : i32
    %add3A_68 = arith.constant 25088 : i32
    %add3A_69 = arith.addi %mul3A_2, %add3A_68 : i32
    %dma_wait3A = arith.constant 196 : i32
    %dma_wait3A_70 = arith.constant 0 : i32
    %dma_wait3A_71 = arith.constant 0 : i32
    %dma_wait3A_72 = arith.constant 0 : i32
    %dma_wait3A_73 = arith.constant 0 : i32
    %dma_wait3A_74 = tpu.memref_slice %arg6[%dma_wait3A_70, %dma_wait3A_72, %dma_wait3A_73] : memref<4x128x128xf32, #tpu.memory_space<vmem>> -> memref<1x128x128xf32, #tpu.memory_space<vmem>>
    %dma_wait3A_75 = tpu.memref_squeeze %dma_wait3A_74 : memref<1x128x128xf32, #tpu.memory_space<vmem>> -> memref<128x128xf32, #tpu.memory_space<vmem>>
    %dma_wait3A_76 = arith.constant 0 : i32
    %dma_wait3A_77 = tpu.memref_slice %arg5[%dma_wait3A, %dma_wait3A_76] : memref<200x128xi32, #tpu.memory_space<vmem>> -> memref<1x128xi32, #tpu.memory_space<vmem>>
    %dma_wait3A_78 = tpu.memref_squeeze %dma_wait3A_77 : memref<1x128xi32, #tpu.memory_space<vmem>> -> memref<128xi32, #tpu.memory_space<vmem>>
    %dma_wait3A_79 = arith.constant 0 : i32
    %dma_wait3A_80 = arith.constant 0 : i32
    %dma_wait3A_81 = tpu.memref_slice %arg2[%dma_wait3A_79, %dma_wait3A_80] : memref<100000x128xf32, #tpu.memory_space<hbm>> -> memref<100000x128xf32, #tpu.memory_space<hbm>>
    %dma_wait3A_82 = tpu.memref_slice %arg7[%dma_wait3A_71] : memref<4x!tpu.dma_semaphore, #tpu.memory_space<semaphore_mem>> -> memref<1x!tpu.dma_semaphore, #tpu.memory_space<semaphore_mem>>
    %dma_wait3A_83 = tpu.memref_squeeze %dma_wait3A_82 : memref<1x!tpu.dma_semaphore, #tpu.memory_space<semaphore_mem>> -> memref<!tpu.dma_semaphore, #tpu.memory_space<semaphore_mem>>
    tpu.wait_indirect_dma semaphore(%dma_wait3A_83 : memref<!tpu.dma_semaphore, #tpu.memory_space<semaphore_mem>>) src(%dma_wait3A_81 : memref<100000x128xf32, #tpu.memory_space<hbm>>) dst(%dma_wait3A_75 : memref<128x128xf32, #tpu.memory_space<vmem>>)
    %dma_start3A_84 = arith.constant 0 : i32
    %dma_start3A_85 = arith.constant 0 : i32
    %dma_start3A_86 = arith.constant 0 : i32
    %dma_start3A_87 = arith.constant 0 : i32
    %dma_start3A_88 = tpu.memref_slice %arg6[%dma_start3A_84, %dma_start3A_86, %dma_start3A_87] : memref<4x128x128xf32, #tpu.memory_space<vmem>> -> memref<1x128x128xf32, #tpu.memory_space<vmem>>
    %dma_start3A_89 = tpu.memref_squeeze %dma_start3A_88 : memref<1x128x128xf32, #tpu.memory_space<vmem>> -> memref<128x128xf32, #tpu.memory_space<vmem>>
    %dma_start3A_90 = arith.constant 0 : i32
    %dma_start3A_91 = tpu.memref_slice %arg4[%add3A_69, %dma_start3A_90] : memref<819200x128xf32, #tpu.memory_space<hbm>> -> memref<128x128xf32, #tpu.memory_space<hbm>>
    %dma_start3A_92 = tpu.memref_slice %arg8[%dma_start3A_85] : memref<4x!tpu.dma_semaphore, #tpu.memory_space<semaphore_mem>> -> memref<1x!tpu.dma_semaphore, #tpu.memory_space<semaphore_mem>>
    %dma_start3A_93 = tpu.memref_squeeze %dma_start3A_92 : memref<1x!tpu.dma_semaphore, #tpu.memory_space<semaphore_mem>> -> memref<!tpu.dma_semaphore, #tpu.memory_space<semaphore_mem>>
    %dma_start3A_94 = arith.constant 0 : i32
    %dma_start3A_95 = tpu.memref_slice %arg4[%add3A_69, %dma_start3A_94] : memref<819200x128xf32, #tpu.memory_space<hbm>> -> memref<128x128xf32, #tpu.memory_space<hbm>>
    %dma_start3A_96 = arith.constant 0 : i32
    %dma_start3A_97 = arith.constant 0 : i32
    %dma_start3A_98 = tpu.memref_slice %arg6[%dma_start3A_84, %dma_start3A_96, %dma_start3A_97] : memref<4x128x128xf32, #tpu.memory_space<vmem>> -> memref<1x128x128xf32, #tpu.memory_space<vmem>>
    %dma_start3A_99 = tpu.memref_squeeze %dma_start3A_98 : memref<1x128x128xf32, #tpu.memory_space<vmem>> -> memref<128x128xf32, #tpu.memory_space<vmem>>
    tpu.enqueue_dma source(%dma_start3A_99 : memref<128x128xf32, #tpu.memory_space<vmem>>) target(%dma_start3A_95 : memref<128x128xf32, #tpu.memory_space<hbm>>) target_semaphore(%dma_start3A_93 : memref<!tpu.dma_semaphore, #tpu.memory_space<semaphore_mem>>)
    %dma_wait3A_100 = arith.constant 0 : i32
    %dma_wait3A_101 = arith.constant 0 : i32
    %dma_wait3A_102 = arith.constant 0 : i32
    %dma_wait3A_103 = arith.constant 0 : i32
    %dma_wait3A_104 = tpu.memref_slice %arg6[%dma_wait3A_100, %dma_wait3A_102, %dma_wait3A_103] : memref<4x128x128xf32, #tpu.memory_space<vmem>> -> memref<1x128x128xf32, #tpu.memory_space<vmem>>
    %dma_wait3A_105 = tpu.memref_squeeze %dma_wait3A_104 : memref<1x128x128xf32, #tpu.memory_space<vmem>> -> memref<128x128xf32, #tpu.memory_space<vmem>>
    %dma_wait3A_106 = arith.constant 0 : i32
    %dma_wait3A_107 = tpu.memref_slice %arg4[%add3A_69, %dma_wait3A_106] : memref<819200x128xf32, #tpu.memory_space<hbm>> -> memref<128x128xf32, #tpu.memory_space<hbm>>
    %dma_wait3A_108 = tpu.memref_slice %arg8[%dma_wait3A_101] : memref<4x!tpu.dma_semaphore, #tpu.memory_space<semaphore_mem>> -> memref<1x!tpu.dma_semaphore, #tpu.memory_space<semaphore_mem>>
    %dma_wait3A_109 = tpu.memref_squeeze %dma_wait3A_108 : memref<1x!tpu.dma_semaphore, #tpu.memory_space<semaphore_mem>> -> memref<!tpu.dma_semaphore, #tpu.memory_space<semaphore_mem>>
    %dma_wait3A_110 = arith.constant 0 : i32
    %dma_wait3A_111 = tpu.memref_slice %arg4[%add3A_69, %dma_wait3A_110] : memref<819200x128xf32, #tpu.memory_space<hbm>> -> memref<128x128xf32, #tpu.memory_space<hbm>>
    %dma_wait3A_112 = arith.constant 0 : i32
    %dma_wait3A_113 = arith.constant 0 : i32
    %dma_wait3A_114 = tpu.memref_slice %arg6[%dma_wait3A_100, %dma_wait3A_112, %dma_wait3A_113] : memref<4x128x128xf32, #tpu.memory_space<vmem>> -> memref<1x128x128xf32, #tpu.memory_space<vmem>>
    %dma_wait3A_115 = tpu.memref_squeeze %dma_wait3A_114 : memref<1x128x128xf32, #tpu.memory_space<vmem>> -> memref<128x128xf32, #tpu.memory_space<vmem>>
    tpu.wait_dma2 semaphore(%dma_wait3A_109 : memref<!tpu.dma_semaphore, #tpu.memory_space<semaphore_mem>>) src(%dma_wait3A_115 : memref<128x128xf32, #tpu.memory_space<vmem>>) dst(%dma_wait3A_111 : memref<128x128xf32, #tpu.memory_space<hbm>>)
    %add3A_116 = arith.constant 25216 : i32
    %add3A_117 = arith.addi %mul3A_2, %add3A_116 : i32
    %dma_wait3A_118 = arith.constant 197 : i32
    %dma_wait3A_119 = arith.constant 1 : i32
    %dma_wait3A_120 = arith.constant 1 : i32
    %dma_wait3A_121 = arith.constant 0 : i32
    %dma_wait3A_122 = arith.constant 0 : i32
    %dma_wait3A_123 = tpu.memref_slice %arg6[%dma_wait3A_119, %dma_wait3A_121, %dma_wait3A_122] : memref<4x128x128xf32, #tpu.memory_space<vmem>> -> memref<1x128x128xf32, #tpu.memory_space<vmem>>
    %dma_wait3A_124 = tpu.memref_squeeze %dma_wait3A_123 : memref<1x128x128xf32, #tpu.memory_space<vmem>> -> memref<128x128xf32, #tpu.memory_space<vmem>>
    %dma_wait3A_125 = arith.constant 0 : i32
    %dma_wait3A_126 = tpu.memref_slice %arg5[%dma_wait3A_118, %dma_wait3A_125] : memref<200x128xi32, #tpu.memory_space<vmem>> -> memref<1x128xi32, #tpu.memory_space<vmem>>
    %dma_wait3A_127 = tpu.memref_squeeze %dma_wait3A_126 : memref<1x128xi32, #tpu.memory_space<vmem>> -> memref<128xi32, #tpu.memory_space<vmem>>
    %dma_wait3A_128 = arith.constant 0 : i32
    %dma_wait3A_129 = arith.constant 0 : i32
    %dma_wait3A_130 = tpu.memref_slice %arg2[%dma_wait3A_128, %dma_wait3A_129] : memref<100000x128xf32, #tpu.memory_space<hbm>> -> memref<100000x128xf32, #tpu.memory_space<hbm>>
    %dma_wait3A_131 = tpu.memref_slice %arg7[%dma_wait3A_120] : memref<4x!tpu.dma_semaphore, #tpu.memory_space<semaphore_mem>> -> memref<1x!tpu.dma_semaphore, #tpu.memory_space<semaphore_mem>>
    %dma_wait3A_132 = tpu.memref_squeeze %dma_wait3A_131 : memref<1x!tpu.dma_semaphore, #tpu.memory_space<semaphore_mem>> -> memref<!tpu.dma_semaphore, #tpu.memory_space<semaphore_mem>>
    tpu.wait_indirect_dma semaphore(%dma_wait3A_132 : memref<!tpu.dma_semaphore, #tpu.memory_space<semaphore_mem>>) src(%dma_wait3A_130 : memref<100000x128xf32, #tpu.memory_space<hbm>>) dst(%dma_wait3A_124 : memref<128x128xf32, #tpu.memory_space<vmem>>)
    %dma_start3A_133 = arith.constant 1 : i32
    %dma_start3A_134 = arith.constant 1 : i32
    %dma_start3A_135 = arith.constant 0 : i32
    %dma_start3A_136 = arith.constant 0 : i32
    %dma_start3A_137 = tpu.memref_slice %arg6[%dma_start3A_133, %dma_start3A_135, %dma_start3A_136] : memref<4x128x128xf32, #tpu.memory_space<vmem>> -> memref<1x128x128xf32, #tpu.memory_space<vmem>>
    %dma_start3A_138 = tpu.memref_squeeze %dma_start3A_137 : memref<1x128x128xf32, #tpu.memory_space<vmem>> -> memref<128x128xf32, #tpu.memory_space<vmem>>
    %dma_start3A_139 = arith.constant 0 : i32
    %dma_start3A_140 = tpu.memref_slice %arg4[%add3A_117, %dma_start3A_139] : memref<819200x128xf32, #tpu.memory_space<hbm>> -> memref<128x128xf32, #tpu.memory_space<hbm>>
    %dma_start3A_141 = tpu.memref_slice %arg8[%dma_start3A_134] : memref<4x!tpu.dma_semaphore, #tpu.memory_space<semaphore_mem>> -> memref<1x!tpu.dma_semaphore, #tpu.memory_space<semaphore_mem>>
    %dma_start3A_142 = tpu.memref_squeeze %dma_start3A_141 : memref<1x!tpu.dma_semaphore, #tpu.memory_space<semaphore_mem>> -> memref<!tpu.dma_semaphore, #tpu.memory_space<semaphore_mem>>
    %dma_start3A_143 = arith.constant 0 : i32
    %dma_start3A_144 = tpu.memref_slice %arg4[%add3A_117, %dma_start3A_143] : memref<819200x128xf32, #tpu.memory_space<hbm>> -> memref<128x128xf32, #tpu.memory_space<hbm>>
    %dma_start3A_145 = arith.constant 0 : i32
    %dma_start3A_146 = arith.constant 0 : i32
    %dma_start3A_147 = tpu.memref_slice %arg6[%dma_start3A_133, %dma_start3A_145, %dma_start3A_146] : memref<4x128x128xf32, #tpu.memory_space<vmem>> -> memref<1x128x128xf32, #tpu.memory_space<vmem>>
    %dma_start3A_148 = tpu.memref_squeeze %dma_start3A_147 : memref<1x128x128xf32, #tpu.memory_space<vmem>> -> memref<128x128xf32, #tpu.memory_space<vmem>>
    tpu.enqueue_dma source(%dma_start3A_148 : memref<128x128xf32, #tpu.memory_space<vmem>>) target(%dma_start3A_144 : memref<128x128xf32, #tpu.memory_space<hbm>>) target_semaphore(%dma_start3A_142 : memref<!tpu.dma_semaphore, #tpu.memory_space<semaphore_mem>>)
    %dma_wait3A_149 = arith.constant 1 : i32
    %dma_wait3A_150 = arith.constant 1 : i32
    %dma_wait3A_151 = arith.constant 0 : i32
    %dma_wait3A_152 = arith.constant 0 : i32
    %dma_wait3A_153 = tpu.memref_slice %arg6[%dma_wait3A_149, %dma_wait3A_151, %dma_wait3A_152] : memref<4x128x128xf32, #tpu.memory_space<vmem>> -> memref<1x128x128xf32, #tpu.memory_space<vmem>>
    %dma_wait3A_154 = tpu.memref_squeeze %dma_wait3A_153 : memref<1x128x128xf32, #tpu.memory_space<vmem>> -> memref<128x128xf32, #tpu.memory_space<vmem>>
    %dma_wait3A_155 = arith.constant 0 : i32
    %dma_wait3A_156 = tpu.memref_slice %arg4[%add3A_117, %dma_wait3A_155] : memref<819200x128xf32, #tpu.memory_space<hbm>> -> memref<128x128xf32, #tpu.memory_space<hbm>>
    %dma_wait3A_157 = tpu.memref_slice %arg8[%dma_wait3A_150] : memref<4x!tpu.dma_semaphore, #tpu.memory_space<semaphore_mem>> -> memref<1x!tpu.dma_semaphore, #tpu.memory_space<semaphore_mem>>
    %dma_wait3A_158 = tpu.memref_squeeze %dma_wait3A_157 : memref<1x!tpu.dma_semaphore, #tpu.memory_space<semaphore_mem>> -> memref<!tpu.dma_semaphore, #tpu.memory_space<semaphore_mem>>
    %dma_wait3A_159 = arith.constant 0 : i32
    %dma_wait3A_160 = tpu.memref_slice %arg4[%add3A_117, %dma_wait3A_159] : memref<819200x128xf32, #tpu.memory_space<hbm>> -> memref<128x128xf32, #tpu.memory_space<hbm>>
    %dma_wait3A_161 = arith.constant 0 : i32
    %dma_wait3A_162 = arith.constant 0 : i32
    %dma_wait3A_163 = tpu.memref_slice %arg6[%dma_wait3A_149, %dma_wait3A_161, %dma_wait3A_162] : memref<4x128x128xf32, #tpu.memory_space<vmem>> -> memref<1x128x128xf32, #tpu.memory_space<vmem>>
    %dma_wait3A_164 = tpu.memref_squeeze %dma_wait3A_163 : memref<1x128x128xf32, #tpu.memory_space<vmem>> -> memref<128x128xf32, #tpu.memory_space<vmem>>
    tpu.wait_dma2 semaphore(%dma_wait3A_158 : memref<!tpu.dma_semaphore, #tpu.memory_space<semaphore_mem>>) src(%dma_wait3A_164 : memref<128x128xf32, #tpu.memory_space<vmem>>) dst(%dma_wait3A_160 : memref<128x128xf32, #tpu.memory_space<hbm>>)
    %add3A_165 = arith.constant 25344 : i32
    %add3A_166 = arith.addi %mul3A_2, %add3A_165 : i32
    %dma_wait3A_167 = arith.constant 198 : i32
    %dma_wait3A_168 = arith.constant 2 : i32
    %dma_wait3A_169 = arith.constant 2 : i32
    %dma_wait3A_170 = arith.constant 0 : i32
    %dma_wait3A_171 = arith.constant 0 : i32
    %dma_wait3A_172 = tpu.memref_slice %arg6[%dma_wait3A_168, %dma_wait3A_170, %dma_wait3A_171] : memref<4x128x128xf32, #tpu.memory_space<vmem>> -> memref<1x128x128xf32, #tpu.memory_space<vmem>>
    %dma_wait3A_173 = tpu.memref_squeeze %dma_wait3A_172 : memref<1x128x128xf32, #tpu.memory_space<vmem>> -> memref<128x128xf32, #tpu.memory_space<vmem>>
    %dma_wait3A_174 = arith.constant 0 : i32
    %dma_wait3A_175 = tpu.memref_slice %arg5[%dma_wait3A_167, %dma_wait3A_174] : memref<200x128xi32, #tpu.memory_space<vmem>> -> memref<1x128xi32, #tpu.memory_space<vmem>>
    %dma_wait3A_176 = tpu.memref_squeeze %dma_wait3A_175 : memref<1x128xi32, #tpu.memory_space<vmem>> -> memref<128xi32, #tpu.memory_space<vmem>>
    %dma_wait3A_177 = arith.constant 0 : i32
    %dma_wait3A_178 = arith.constant 0 : i32
    %dma_wait3A_179 = tpu.memref_slice %arg2[%dma_wait3A_177, %dma_wait3A_178] : memref<100000x128xf32, #tpu.memory_space<hbm>> -> memref<100000x128xf32, #tpu.memory_space<hbm>>
    %dma_wait3A_180 = tpu.memref_slice %arg7[%dma_wait3A_169] : memref<4x!tpu.dma_semaphore, #tpu.memory_space<semaphore_mem>> -> memref<1x!tpu.dma_semaphore, #tpu.memory_space<semaphore_mem>>
    %dma_wait3A_181 = tpu.memref_squeeze %dma_wait3A_180 : memref<1x!tpu.dma_semaphore, #tpu.memory_space<semaphore_mem>> -> memref<!tpu.dma_semaphore, #tpu.memory_space<semaphore_mem>>
    tpu.wait_indirect_dma semaphore(%dma_wait3A_181 : memref<!tpu.dma_semaphore, #tpu.memory_space<semaphore_mem>>) src(%dma_wait3A_179 : memref<100000x128xf32, #tpu.memory_space<hbm>>) dst(%dma_wait3A_173 : memref<128x128xf32, #tpu.memory_space<vmem>>)
    %dma_start3A_182 = arith.constant 2 : i32
    %dma_start3A_183 = arith.constant 2 : i32
    %dma_start3A_184 = arith.constant 0 : i32
    %dma_start3A_185 = arith.constant 0 : i32
    %dma_start3A_186 = tpu.memref_slice %arg6[%dma_start3A_182, %dma_start3A_184, %dma_start3A_185] : memref<4x128x128xf32, #tpu.memory_space<vmem>> -> memref<1x128x128xf32, #tpu.memory_space<vmem>>
    %dma_start3A_187 = tpu.memref_squeeze %dma_start3A_186 : memref<1x128x128xf32, #tpu.memory_space<vmem>> -> memref<128x128xf32, #tpu.memory_space<vmem>>
    %dma_start3A_188 = arith.constant 0 : i32
    %dma_start3A_189 = tpu.memref_slice %arg4[%add3A_166, %dma_start3A_188] : memref<819200x128xf32, #tpu.memory_space<hbm>> -> memref<128x128xf32, #tpu.memory_space<hbm>>
    %dma_start3A_190 = tpu.memref_slice %arg8[%dma_start3A_183] : memref<4x!tpu.dma_semaphore, #tpu.memory_space<semaphore_mem>> -> memref<1x!tpu.dma_semaphore, #tpu.memory_space<semaphore_mem>>
    %dma_start3A_191 = tpu.memref_squeeze %dma_start3A_190 : memref<1x!tpu.dma_semaphore, #tpu.memory_space<semaphore_mem>> -> memref<!tpu.dma_semaphore, #tpu.memory_space<semaphore_mem>>
    %dma_start3A_192 = arith.constant 0 : i32
    %dma_start3A_193 = tpu.memref_slice %arg4[%add3A_166, %dma_start3A_192] : memref<819200x128xf32, #tpu.memory_space<hbm>> -> memref<128x128xf32, #tpu.memory_space<hbm>>
    %dma_start3A_194 = arith.constant 0 : i32
    %dma_start3A_195 = arith.constant 0 : i32
    %dma_start3A_196 = tpu.memref_slice %arg6[%dma_start3A_182, %dma_start3A_194, %dma_start3A_195] : memref<4x128x128xf32, #tpu.memory_space<vmem>> -> memref<1x128x128xf32, #tpu.memory_space<vmem>>
    %dma_start3A_197 = tpu.memref_squeeze %dma_start3A_196 : memref<1x128x128xf32, #tpu.memory_space<vmem>> -> memref<128x128xf32, #tpu.memory_space<vmem>>
    tpu.enqueue_dma source(%dma_start3A_197 : memref<128x128xf32, #tpu.memory_space<vmem>>) target(%dma_start3A_193 : memref<128x128xf32, #tpu.memory_space<hbm>>) target_semaphore(%dma_start3A_191 : memref<!tpu.dma_semaphore, #tpu.memory_space<semaphore_mem>>)
    %dma_wait3A_198 = arith.constant 2 : i32
    %dma_wait3A_199 = arith.constant 2 : i32
    %dma_wait3A_200 = arith.constant 0 : i32
    %dma_wait3A_201 = arith.constant 0 : i32
    %dma_wait3A_202 = tpu.memref_slice %arg6[%dma_wait3A_198, %dma_wait3A_200, %dma_wait3A_201] : memref<4x128x128xf32, #tpu.memory_space<vmem>> -> memref<1x128x128xf32, #tpu.memory_space<vmem>>
    %dma_wait3A_203 = tpu.memref_squeeze %dma_wait3A_202 : memref<1x128x128xf32, #tpu.memory_space<vmem>> -> memref<128x128xf32, #tpu.memory_space<vmem>>
    %dma_wait3A_204 = arith.constant 0 : i32
    %dma_wait3A_205 = tpu.memref_slice %arg4[%add3A_166, %dma_wait3A_204] : memref<819200x128xf32, #tpu.memory_space<hbm>> -> memref<128x128xf32, #tpu.memory_space<hbm>>
    %dma_wait3A_206 = tpu.memref_slice %arg8[%dma_wait3A_199] : memref<4x!tpu.dma_semaphore, #tpu.memory_space<semaphore_mem>> -> memref<1x!tpu.dma_semaphore, #tpu.memory_space<semaphore_mem>>
    %dma_wait3A_207 = tpu.memref_squeeze %dma_wait3A_206 : memref<1x!tpu.dma_semaphore, #tpu.memory_space<semaphore_mem>> -> memref<!tpu.dma_semaphore, #tpu.memory_space<semaphore_mem>>
    %dma_wait3A_208 = arith.constant 0 : i32
    %dma_wait3A_209 = tpu.memref_slice %arg4[%add3A_166, %dma_wait3A_208] : memref<819200x128xf32, #tpu.memory_space<hbm>> -> memref<128x128xf32, #tpu.memory_space<hbm>>
    %dma_wait3A_210 = arith.constant 0 : i32
    %dma_wait3A_211 = arith.constant 0 : i32
    %dma_wait3A_212 = tpu.memref_slice %arg6[%dma_wait3A_198, %dma_wait3A_210, %dma_wait3A_211] : memref<4x128x128xf32, #tpu.memory_space<vmem>> -> memref<1x128x128xf32, #tpu.memory_space<vmem>>
    %dma_wait3A_213 = tpu.memref_squeeze %dma_wait3A_212 : memref<1x128x128xf32, #tpu.memory_space<vmem>> -> memref<128x128xf32, #tpu.memory_space<vmem>>
    tpu.wait_dma2 semaphore(%dma_wait3A_207 : memref<!tpu.dma_semaphore, #tpu.memory_space<semaphore_mem>>) src(%dma_wait3A_213 : memref<128x128xf32, #tpu.memory_space<vmem>>) dst(%dma_wait3A_209 : memref<128x128xf32, #tpu.memory_space<hbm>>)
    %add3A_214 = arith.constant 25472 : i32
    %add3A_215 = arith.addi %mul3A_2, %add3A_214 : i32
    %dma_wait3A_216 = arith.constant 199 : i32
    %dma_wait3A_217 = arith.constant 3 : i32
    %dma_wait3A_218 = arith.constant 3 : i32
    %dma_wait3A_219 = arith.constant 0 : i32
    %dma_wait3A_220 = arith.constant 0 : i32
    %dma_wait3A_221 = tpu.memref_slice %arg6[%dma_wait3A_217, %dma_wait3A_219, %dma_wait3A_220] : memref<4x128x128xf32, #tpu.memory_space<vmem>> -> memref<1x128x128xf32, #tpu.memory_space<vmem>>
    %dma_wait3A_222 = tpu.memref_squeeze %dma_wait3A_221 : memref<1x128x128xf32, #tpu.memory_space<vmem>> -> memref<128x128xf32, #tpu.memory_space<vmem>>
    %dma_wait3A_223 = arith.constant 0 : i32
    %dma_wait3A_224 = tpu.memref_slice %arg5[%dma_wait3A_216, %dma_wait3A_223] : memref<200x128xi32, #tpu.memory_space<vmem>> -> memref<1x128xi32, #tpu.memory_space<vmem>>
    %dma_wait3A_225 = tpu.memref_squeeze %dma_wait3A_224 : memref<1x128xi32, #tpu.memory_space<vmem>> -> memref<128xi32, #tpu.memory_space<vmem>>
    %dma_wait3A_226 = arith.constant 0 : i32
    %dma_wait3A_227 = arith.constant 0 : i32
    %dma_wait3A_228 = tpu.memref_slice %arg2[%dma_wait3A_226, %dma_wait3A_227] : memref<100000x128xf32, #tpu.memory_space<hbm>> -> memref<100000x128xf32, #tpu.memory_space<hbm>>
    %dma_wait3A_229 = tpu.memref_slice %arg7[%dma_wait3A_218] : memref<4x!tpu.dma_semaphore, #tpu.memory_space<semaphore_mem>> -> memref<1x!tpu.dma_semaphore, #tpu.memory_space<semaphore_mem>>
    %dma_wait3A_230 = tpu.memref_squeeze %dma_wait3A_229 : memref<1x!tpu.dma_semaphore, #tpu.memory_space<semaphore_mem>> -> memref<!tpu.dma_semaphore, #tpu.memory_space<semaphore_mem>>
    tpu.wait_indirect_dma semaphore(%dma_wait3A_230 : memref<!tpu.dma_semaphore, #tpu.memory_space<semaphore_mem>>) src(%dma_wait3A_228 : memref<100000x128xf32, #tpu.memory_space<hbm>>) dst(%dma_wait3A_222 : memref<128x128xf32, #tpu.memory_space<vmem>>)
    %dma_start3A_231 = arith.constant 3 : i32
    %dma_start3A_232 = arith.constant 3 : i32
    %dma_start3A_233 = arith.constant 0 : i32
    %dma_start3A_234 = arith.constant 0 : i32
    %dma_start3A_235 = tpu.memref_slice %arg6[%dma_start3A_231, %dma_start3A_233, %dma_start3A_234] : memref<4x128x128xf32, #tpu.memory_space<vmem>> -> memref<1x128x128xf32, #tpu.memory_space<vmem>>
    %dma_start3A_236 = tpu.memref_squeeze %dma_start3A_235 : memref<1x128x128xf32, #tpu.memory_space<vmem>> -> memref<128x128xf32, #tpu.memory_space<vmem>>
    %dma_start3A_237 = arith.constant 0 : i32
    %dma_start3A_238 = tpu.memref_slice %arg4[%add3A_215, %dma_start3A_237] : memref<819200x128xf32, #tpu.memory_space<hbm>> -> memref<128x128xf32, #tpu.memory_space<hbm>>
    %dma_start3A_239 = tpu.memref_slice %arg8[%dma_start3A_232] : memref<4x!tpu.dma_semaphore, #tpu.memory_space<semaphore_mem>> -> memref<1x!tpu.dma_semaphore, #tpu.memory_space<semaphore_mem>>
    %dma_start3A_240 = tpu.memref_squeeze %dma_start3A_239 : memref<1x!tpu.dma_semaphore, #tpu.memory_space<semaphore_mem>> -> memref<!tpu.dma_semaphore, #tpu.memory_space<semaphore_mem>>
    %dma_start3A_241 = arith.constant 0 : i32
    %dma_start3A_242 = tpu.memref_slice %arg4[%add3A_215, %dma_start3A_241] : memref<819200x128xf32, #tpu.memory_space<hbm>> -> memref<128x128xf32, #tpu.memory_space<hbm>>
    %dma_start3A_243 = arith.constant 0 : i32
    %dma_start3A_244 = arith.constant 0 : i32
    %dma_start3A_245 = tpu.memref_slice %arg6[%dma_start3A_231, %dma_start3A_243, %dma_start3A_244] : memref<4x128x128xf32, #tpu.memory_space<vmem>> -> memref<1x128x128xf32, #tpu.memory_space<vmem>>
    %dma_start3A_246 = tpu.memref_squeeze %dma_start3A_245 : memref<1x128x128xf32, #tpu.memory_space<vmem>> -> memref<128x128xf32, #tpu.memory_space<vmem>>
    tpu.enqueue_dma source(%dma_start3A_246 : memref<128x128xf32, #tpu.memory_space<vmem>>) target(%dma_start3A_242 : memref<128x128xf32, #tpu.memory_space<hbm>>) target_semaphore(%dma_start3A_240 : memref<!tpu.dma_semaphore, #tpu.memory_space<semaphore_mem>>)
    %dma_wait3A_247 = arith.constant 3 : i32
    %dma_wait3A_248 = arith.constant 3 : i32
    %dma_wait3A_249 = arith.constant 0 : i32
    %dma_wait3A_250 = arith.constant 0 : i32
    %dma_wait3A_251 = tpu.memref_slice %arg6[%dma_wait3A_247, %dma_wait3A_249, %dma_wait3A_250] : memref<4x128x128xf32, #tpu.memory_space<vmem>> -> memref<1x128x128xf32, #tpu.memory_space<vmem>>
    %dma_wait3A_252 = tpu.memref_squeeze %dma_wait3A_251 : memref<1x128x128xf32, #tpu.memory_space<vmem>> -> memref<128x128xf32, #tpu.memory_space<vmem>>
    %dma_wait3A_253 = arith.constant 0 : i32
    %dma_wait3A_254 = tpu.memref_slice %arg4[%add3A_215, %dma_wait3A_253] : memref<819200x128xf32, #tpu.memory_space<hbm>> -> memref<128x128xf32, #tpu.memory_space<hbm>>
    %dma_wait3A_255 = tpu.memref_slice %arg8[%dma_wait3A_248] : memref<4x!tpu.dma_semaphore, #tpu.memory_space<semaphore_mem>> -> memref<1x!tpu.dma_semaphore, #tpu.memory_space<semaphore_mem>>
    %dma_wait3A_256 = tpu.memref_squeeze %dma_wait3A_255 : memref<1x!tpu.dma_semaphore, #tpu.memory_space<semaphore_mem>> -> memref<!tpu.dma_semaphore, #tpu.memory_space<semaphore_mem>>
    %dma_wait3A_257 = arith.constant 0 : i32
    %dma_wait3A_258 = tpu.memref_slice %arg4[%add3A_215, %dma_wait3A_257] : memref<819200x128xf32, #tpu.memory_space<hbm>> -> memref<128x128xf32, #tpu.memory_space<hbm>>
    %dma_wait3A_259 = arith.constant 0 : i32
    %dma_wait3A_260 = arith.constant 0 : i32
    %dma_wait3A_261 = tpu.memref_slice %arg6[%dma_wait3A_247, %dma_wait3A_259, %dma_wait3A_260] : memref<4x128x128xf32, #tpu.memory_space<vmem>> -> memref<1x128x128xf32, #tpu.memory_space<vmem>>
    %dma_wait3A_262 = tpu.memref_squeeze %dma_wait3A_261 : memref<1x128x128xf32, #tpu.memory_space<vmem>> -> memref<128x128xf32, #tpu.memory_space<vmem>>
    tpu.wait_dma2 semaphore(%dma_wait3A_256 : memref<!tpu.dma_semaphore, #tpu.memory_space<semaphore_mem>>) src(%dma_wait3A_262 : memref<128x128xf32, #tpu.memory_space<vmem>>) dst(%dma_wait3A_258 : memref<128x128xf32, #tpu.memory_space<hbm>>)
    return
  }
}

</mosaic_0001>

<sc_bundles>
// kernel: _gather_rows.3.cloned.1.call-start
scs
__scs_entry_jumppad:
0x0: {  	(pc) =	sbr.rel $0x88, $3  }
0x1: {  	(tag) =	ssettag $0x0;
	lr =	simm.s32 $0x1  }
0x2: {  	[smem:$0x3F9F] =	sst lr;
	_ =	strace $0xD0000000  }
0x3: {  	_ = 	snop  }
0x4: {  	_ = 	snop  }
0x5: {  	_ = 	snop  }
0x6: {  	_ = 	snop  }
0x7: {  	_ = 	snop  }
__scs_overlays_trampoline_lowered:
0x8: {  	[smem:$0x3FAE] =	sst s0  }
0x9: {  	[smem:$0x3FAF] =	sst s1  }
0xa: {  	[smem:$0x3FB0] =	sst s2  }
0xb: {  	[smem:$0x3FB1] =	sst s3  }
0xc: {  	[smem:$0x3FB2] =	sst s4  }
0xd: {  	[smem:$0x3FB3] =	sst s5  }
0xe: {  	[smem:$0x3FB4] =	sst s6  }
0xf: {  	[smem:$0x3FB5] =	sst s7  }
0x10: {  	[smem:$0x3FB6] =	sst s8  }
0x11: {  	[smem:$0x3FB7] =	sst s9;
	s0 =	simm.s32 @!p0 $0x0  }
0x12: {  	s1 =	sld [smem:$0x3F9D];
	s0 =	simm.s32 @p0 $0x1  }
0x13: {  	[smem:$0x3FB8] =	sst s0;
	s0 =	simm.s32 @!p1 $0x0  }
0x14: {  	s2 =	sld [smem:$0x3F9C];
	s0 =	simm.s32 @p1 $0x1  }
0x15: {  	[smem:$0x3FB9] =	sst s0;
	s0 =	simm.s32 @!p2 $0x0  }
0x16: {  	s3 =	sld [smem:$0x3FDB];
	s0 =	simm.s32 @p2 $0x1  }
0x17: {  	s4 =	simm.s32 $0x1BF5;
	[smem:$0x3FBB] =	sst s0  }
0x18: {  	s0 =	sld [smem:$0x3F9E];
	_ =	swait.ge [sflag:s4], $0x0  }
0x19: {  	s7 =	sld [smem:$0x3F9F]  }
0x1a: {  	s8 =	sadd.s32 $0xFFFFE003, lr  }
0x1b: {  	s9 =	sadd.s32 $0xFFFFFEF7, lr;
	s5 =	simm.s32 $0xFFFFFFFF;
	p2 =	slt.u32 s8, $0xFFFFF086  }
0x1c: {  	p1 =	slt.u32 s9, $0xF7A;
	s5 =	simm.s32 @!p2 $0x0  }
0x1d: {  	s5 =	simm.s32 @p1 $0x1;
	p0 =	seq.s32 s7, s2  }
0x1e: {  	s7 =	smul.u32 @!p0 $0xF7A, s2;
	p2 =	seq.s32 @!p0 s5, $0x0  }
0x1f: {  	s9 =	smul.u32 $0xF7A, s1;
	s8 =	simm.s32 @!p0 $0x1BF5;
	p2 =	por !p2, p0  }
0x20: {  	[sflag:s8] =	ssyncset.s32 @!p0 $0xFFFFF086;
	s6 =	sadd.s32 @!p0 s3, s7;
	s7 =	simm.s32 @!p0 $0x108  }
0x21: {  	s3 =	sadd.s32 s3, s9;
	s6 =	sadd.s32 @!p0 $0x88, s6;
	s7 =	simm.s32 @p2 $0x1082  }
0x22: {  	[simem:s7], [sflag:s8] =	dma.local @!p0 [hbm:s6], $0xF7A  }
0x23: {  	s9 =	sor.u32 $0xD0000000, s2;
	s6 =	simm.s32 $0x108;
	_ =	swait.ge @!p0 [sflag:s8], $0x0  }
0x24: {  	s3 =	sadd.s32 $0x88, s3;
	s6 =	simm.s32 @!p1 $0x1082;
	[sflag:s4] =	ssyncset.s32 $0xFFFFF086  }
0x25: {  	[simem:s6], [sflag:s4] =	dma.local [hbm:s3], $0xF7A  }
0x26: {  	[smem:$0x3F9F] =	sst s1;
	(tag) =	ssettag s2;
	_ =	strace s9  }
0x27: {  	s1 =	sld [smem:$0x3FAF]  }
0x28: {  	s2 =	sld [smem:$0x3FB0]  }
0x29: {  	s4 =	sld [smem:$0x3FB2]  }
0x2a: {  	p0 =	seq.s32 s5, $0x0;
	s5 =	sld [smem:$0x3FB3]  }
0x2b: {  	s6 =	sld [smem:$0x3FB4]  }
0x2c: {  	s7 =	sld [smem:$0x3FB5]  }
0x2d: {  	s3 =	simm.s32 $0x108;
	s8 =	sld [smem:$0x3FB6]  }
0x2e: {  	s3 =	simm.s32 @!p0 $0x1082;
	s9 =	sld [smem:$0x3FB7]  }
0x2f: {  	lr =	sadd.s32 s0, s3;
	s0 =	sld [smem:$0x3FAE]  }
0x30: {  	s3 =	sld [smem:$0x3FB1]  }
0x31: {  	[smem:$0x3FBA] =	sst s10  }
0x32: {  	s10 =	sld [smem:$0x3FB8];
	_ =	sdelay $0x3  }
0x33: {  	p0 =	seq.s32 s10, $0x1;
	s10 =	sld [smem:$0x3FBA];
	_ =	sdelay $0x3  }
0x34: {  	[smem:$0x3FBA] =	sst s10  }
0x35: {  	s10 =	sld [smem:$0x3FB9];
	_ =	sdelay $0x3  }
0x36: {  	p1 =	seq.s32 s10, $0x1;
	s10 =	sld [smem:$0x3FBA];
	_ =	sdelay $0x3  }
0x37: {  	[smem:$0x3FBA] =	sst s10  }
0x38: {  	s10 =	sld [smem:$0x3FBB]  }
0x39: {  	_ = 	snop;
	(pc) =	sbr.ind lr, $3  }
0x3a: {  	_ = 	snop  }
0x3b: {  	_ = 	snop  }
0x3c: {  	p2 =	seq.s32 s10, $0x1;
	s10 =	sld [smem:$0x3FBA]  }
0x3d: {  	_ =	shalt  }
0x3e: {  	_ =	shalt  }
0x3f: {  	_ =	shalt  }
0x40: {  	_ =	shalt  }
0x41: {  	_ =	shalt  }
0x42: {  	_ =	shalt  }
0x43: {  	_ =	shalt  }
0x44: {  	_ =	shalt  }
0x45: {  	_ =	shalt  }
0x46: {  	_ =	shalt  }
0x47: {  	_ =	shalt  }
0x48: {  	_ =	shalt  }
0x49: {  	_ =	shalt  }
0x4a: {  	_ =	shalt  }
0x4b: {  	_ =	shalt  }
0x4c: {  	_ =	shalt  }
0x4d: {  	_ =	shalt  }
0x4e: {  	_ =	shalt  }
0x4f: {  	_ =	shalt  }
0x50: {  	_ =	shalt  }
0x51: {  	_ =	shalt  }
0x52: {  	_ =	shalt  }
0x53: {  	_ =	shalt  }
0x54: {  	_ =	shalt  }
0x55: {  	_ =	shalt  }
0x56: {  	_ =	shalt  }
0x57: {  	_ =	shalt  }
0x58: {  	_ =	shalt  }
0x59: {  	_ =	shalt  }
0x5a: {  	_ =	shalt  }
0x5b: {  	_ =	shalt  }
0x5c: {  	_ =	shalt  }
0x5d: {  	_ =	shalt  }
0x5e: {  	_ =	shalt  }
0x5f: {  	_ =	shalt  }
0x60: {  	_ =	shalt  }
0x61: {  	_ =	shalt  }
0x62: {  	_ =	shalt  }
0x63: {  	_ =	shalt  }
0x64: {  	_ =	shalt  }
0x65: {  	_ =	shalt  }
0x66: {  	_ =	shalt  }
0x67: {  	_ =	shalt  }
0x68: {  	_ =	shalt  }
0x69: {  	_ =	shalt  }
0x6a: {  	_ =	shalt  }
0x6b: {  	_ =	shalt  }
0x6c: {  	_ =	shalt  }
0x6d: {  	_ =	shalt  }
0x6e: {  	_ =	shalt  }
0x6f: {  	_ =	shalt  }
0x70: {  	_ =	shalt  }
0x71: {  	_ =	shalt  }
0x72: {  	_ =	shalt  }
0x73: {  	_ =	shalt  }
0x74: {  	_ =	shalt  }
0x75: {  	_ =	shalt  }
0x76: {  	_ =	shalt  }
0x77: {  	_ =	shalt  }
0x78: {  	_ =	shalt  }
0x79: {  	_ =	shalt  }
0x7a: {  	_ =	shalt  }
0x7b: {  	_ =	shalt  }
0x7c: {  	_ =	shalt  }
0x7d: {  	_ =	shalt  }
0x7e: {  	_ =	shalt  }
0x7f: {  	_ =	shalt  }
0x80: {  	_ =	shalt  }
0x81: {  	_ =	shalt  }
0x82: {  	_ =	shalt  }
0x83: {  	_ =	shalt  }
0x84: {  	_ =	shalt  }
0x85: {  	_ =	shalt  }
0x86: {  	_ =	shalt  }
0x87: {  	_ =	shalt  }
.Lfunc_end0:
.L_simem_size_0:
called_computation_lowered:
.L_overlay_start_0:
0x88: {  	s2 =	sld [smem:$0x3FD9]  }
0x89: {  	s3 =	sld [smem:$0x3FFE];
	_ =	sdelay $0x1  }
0x8a: {  	s1 =	srdreg.scid  }
0x8b: {  	s0 =	sand.u32 $0x1, s1  }
0x8c: {  	s18 =	sshll.u32 s0, $0xA;
	s2 =	sadd.s32 s3, s2  }
0x8d: {  	s2 =	sadd.s32 s2, s18  }
0x8e: {  	[smem:$0x3FC6] =	sst s2  }
0x8f: {  	_ = 	snop  }
0x90: {  	s2 =	sld [smem:$0x3FC9]  }
0x91: {  	s19 =	sld [smem:$0x3FC8]  }
0x92: {  	s4 =	sld [smem:$0x3FD0];
	(tm) =	ssettm $0x1  }
0x93: {  	s5 =	sld [smem:$0x3FFB];
	_ =	sdelay $0x3  }
0x94: {  	_ =	strace s5  }
0x95: {  	s5 =	sld [smem:$0x3FFC];
	_ =	sdelay $0x3  }
0x96: {  	_ =	strace s5  }
0x97: {  	s5 =	sld [smem:$0x3FFD];
	_ =	sdelay $0x3  }
0x98: {  	_ =	strace s5  }
0x99: {  	_ =	strace $0x8FFFFFFF  }
0x9a: {  	s20 =	sld [smem:$0x3FDB];
	_ =	sdelay $0x1  }
0x9b: {  	s6 =	simm.s32 $_scs_section_size  }
0x9c: {  	s7 =	simm.s32 $_size__tile_overlayer_lowered;
	s8 =	simm.s32 $_tile_overlayer_lowered  }
0x9d: {  	s23 =	simm.s32 $0x1BFF;
	s22 =	sshll.u32 s8, $0x1;
	s5 =	sadd.s32 s6, s20  }
0x9e: {  	s9 =	simm.s32 $0x0;
	s21 =	sshll.u32 s7, $0x1;
	s7 =	sadd.s32 s22, s5  }
0x9f: {  	[timem:s9], [sflag:s23] =	dma.local [hbm:s7], s21  }
0xa0: {  	_ =	swait.ge [sflag:s23], s21  }
0xa1: {  	s6 =	ssub.s32 $0x0, s21;
	[sflag:s23] =	ssyncset.done $0x0  }
0xa2: {  	[sflag:s23] =	ssyncadd.s32 s6;
	_ =	sdelay $0x1  }
0xa3: {  	s24 =	simm.s32 $0x1B8B  }
0xa4: {  	_ =	swait.ge [sflag:s24], $0x1  }
0xa5: {  	[sflag:s24] =	ssyncset.done $0x0  }
0xa6: {  	s25 =	simm.s32 $0x1B8E;
	[sflag:s24] =	ssyncadd.s32 $0xFFFFFFFF  }
0xa7: {  	s26 =	simm.s32 $execute0_lowered;
	[smem:$0x3FD2] =	sst s25  }
0xa8: {  	s6 =	sshll.u32 s26, $0x1;
	_ =	strace $0x80000046;
	[dreg:$0x1] =	wrdreg $0xFFFFFFFF  }
0xa9: {  	s28 =	simm.s32 $_size_execute0_lowered;
	s5 =	sadd.s32 s5, s6;
	[dreg:$0x0] =	wrdreg $0x0  }
0xaa: {  	s6 =	sshll.u32 s28, $0x1;
	[dreg:$0x2] =	wrdreg s5  }
0xab: {  	[dreg:$0x3] =	wrdreg s6  }
0xac: {  	[dreg:$0x4] =	wrdreg $0xC0  }
0xad: {  	_ =	task [dreg:s9], $0x5FFFF  }
0xae: {  	[dreg:$0x1] =	wrdreg $0xFFFFFFFF  }
0xaf: {  	[dreg:$0x0] =	wrdreg $0x60  }
0xb0: {  	[dreg:$0x2] =	wrdreg s2  }
0xb1: {  	[dreg:$0x3] =	wrdreg s19  }
0xb2: {  	[dreg:$0x4] =	wrdreg s4  }
0xb3: {  	[dreg:$0x5] =	wrdreg $0x9  }
0xb4: {  	_ =	task.clear_ibuf [dreg:s9], $0x6FFFF;
	_ =	strace $0x90000046  }
0xb5: {  	s29 =	simm.s32 $0x9;
	_ =	strace $0x80000048  }
0xb6: {  	_ =	swait.ge [sflag:s29], $0x1  }
0xb7: {  	[sflag:s29] =	ssyncadd.s32 $0xFFFFFFFF  }
0xb8: {  	_ =	strace $0x90000048  }
0xb9: {  	_ =	sfence  }
0xba: {  	s30 =	sld [smem:$0x0];
	_ =	sdelay $0x2  }
0xbb: {  	s31 =	sshll.u32 s1, $0xD;
	s1 =	sshrl.u32 s1, $0x2  }
0xbc: {  	s3 =	sand.u32 $0x4000, s31;
	s1 =	sadd.s32 s1, s30  }
0xbd: {  	s0 =	sor.u32 s3, s0;
	s1 =	sshll.u32 s1, $0x11  }
0xbe: {  	s0 =	sor.u32 s1, s0  }
0xbf: {  	s0 =	sadd.s32 $0x8F2B, s0  }
0xc0: {  	[sflag:s0] =	ssyncadd.remote.s32 $0x1  }
0xc1: {  	_ =	sfence.sel $0xFFFF  }
0xc2: {  	[dreg:$0x0] =	wrdreg $0xFFFFFFFF;
	(pc) =	sbr.abs _section_cstart, $3  }
0xc3: {  	[dreg:$0x1] =	wrdreg $0xFFFFFFFF  }
0xc4: {  	_ =	task.clear_ibuf [dreg:s9], $0x2FFFF;
	_ =	strace $0x9FFFFFFF  }
0xc5: {  	(tm) =	ssettm $0x7FFFFFFF  }
tec
execute0_lowered:
.L_overlay_start_1:
0x0: {  	(tag) =	ssettag $0x1  }
0x1: {  	s1 =	rddreg [dreg:$0x0]  }
0x2: {  	s2 =	rddreg [dreg:$0x1]  }
0x3: {  	s3 =	srdreg.scid;
	s0 =	stileid.u32  }
0x4: {  	s11 =	rddreg [dreg:$0x2];
	s14 =	simm.s32 $0x6400;
	s15 =	simm.s32 $0xA400  }
0x5: {  	s17 =	simm.s32 $0xE400;
	s18 =	simm.s32 $0x180;
	s19 =	simm.s32 $0x12400  }
0x6: {  	s20 =	simm.s32 $0x1;
	s21 =	simm.s32 $0x5;
	s22 =	simm.s32 $0x2  }
0x7: {  	s23 =	simm.s32 $0x6;
	s24 =	simm.s32 $0x3;
	s8 =	smul.u32 $0x640000, s0  }
0x8: {  	s28 =	simm.s32 $0x8;
	s9 =	sand.u32 $0x1, s3;
	s26 =	smul.u32 $0xC8000, s0  }
0x9: {  	s29 =	simm.s32 $0x0;
	s4 =	sshll.u32 s0, $0x1;
	s13 =	smul.u32 $0x320000, s9  }
0xa: {  	s3 =	simm.s32 $0x0;
	s4 =	sor.u32 s9, s4;
	s30 =	smul.u32 $0x64000, s9  }
0xb: {  	[smem:$0x7FF] =	sst s3;
	s6 =	ssub.s32 $0x2, s9;
	s5 =	smul.u32 $0x320000, s4  }
0xc: {  	_ =	strace $0x80000047;
	s4 =	smul.u32 $0xC80, s4;
	s7 =	sshrl.u32 s6, $0x1  }
0xd: {  	s31 =	sadd.s32 s26, s11;
	s26 =	simm.s32 $0x4;
	s10 =	ssub.s32 s6, s7  }
0xe: {  	s25 =	sadd.s32 s13, s8;
	s13 =	simm.s32 $0x80;
	s5 =	sshrl.u32 s5, $0x3  }
0xf: {  	s4 =	sadd.s32 s2, s4;
	s2 =	sshrl.u32 s25, $0x3;
	s9 =	smax.u32 s10, $0x1  }
0x10: {  	s25 =	simm.s32 $0x7;
	s12 =	sadd.s32 s11, s5;
	s10 =	sadd.s32 s2, s11  }
0x11: {  	s11 =	sadd.s32 s30, s31;
	s5 =	sadd.s32 $0x62000, s12;
	s6 =	sadd.s32 $0x62800, s12  }
0x12: {  	s7 =	sadd.s32 $0x63000, s12;
	s8 =	sadd.s32 $0x63800, s12;
	s12 =	simm.s32 $0x9  }
.LBB2_1:
0x13: {  	[tilespmem:s3], [sflag:$0x9] =	stream.linear.gather [hbm4b:s4+s3], $0x6400, $0x38;
	[tilespmem:$0x16400] =	vst v63  }
0x14: {  	_ =	swait.ge [sflag:s12], $0x6400  }
0x15: {  	[sflag:s12] =	ssyncset.done $0x0  }
0x16: {  	[sflag:s12] =	ssyncadd.s32 $0xFFFF9C00  }
0x17: {  	[tilespmem:s14], [sflag:$0x1] =	stream.indirect.gather [hbm4b:s1+s13], $0x80, s3, s13, $0xb8;
	[tilespmem:$0x16400] =	vst v63  }
0x18: {  	_ = 	snop  }
0x19: {  	[tilespmem:s15], [sflag:$0x2] =	stream.indirect.gather [hbm4b:s1+s13], $0x80, s13, s13, $0xb8;
	[tilespmem:$0x16400] =	vst v63  }
0x1a: {  	s0 =	simm.s32 $0x100  }
0x1b: {  	[tilespmem:s17], [sflag:$0x3] =	stream.indirect.gather [hbm4b:s1+s13], $0x80, s0, s13, $0xb8;
	[tilespmem:$0x16400] =	vst v63  }
0x1c: {  	_ = 	snop  }
0x1d: {  	[tilespmem:s19], [sflag:$0x4] =	stream.indirect.gather [hbm4b:s1+s13], $0x80, s18, s13, $0xb8;
	[tilespmem:$0x16400] =	vst v63  }
0x1e: {  	_ =	swait.ge [sflag:s20], $0x4000  }
0x1f: {  	[sflag:s20] =	ssyncset.done $0x0  }
0x20: {  	s2 =	sadd.s32 $0x0, s10;
	[sflag:s20] =	ssyncadd.s32 $0xFFFFC000  }
0x21: {  	[hbm4b:s2+s3] =	stream.linear.scatter [tilespmem:s14], [sflag:$0x5], $0x4000, $0x38;
	[tilespmem:$0x16400] =	vst v63  }
0x22: {  	_ =	swait.ge [sflag:s21], $0x4000  }
0x23: {  	[sflag:s21] =	ssyncset.done $0x0  }
0x24: {  	s0 =	simm.s32 $0x200;
	[sflag:s21] =	ssyncadd.s32 $0xFFFFC000  }
0x25: {  	[tilespmem:s14], [sflag:$0x1] =	stream.indirect.gather [hbm4b:s1+s13], $0x80, s0, s13, $0xb8;
	[tilespmem:$0x16400] =	vst v63  }
0x26: {  	_ =	swait.ge [sflag:s22], $0x4000  }
0x27: {  	s16 =	sadd.s32 $0x0, s11;
	[sflag:s22] =	ssyncset.done $0x0  }
0x28: {  	s30 =	sadd.s32 $0x800, s16;
	[sflag:s22] =	ssyncadd.s32 $0xFFFFC000  }
0x29: {  	[hbm4b:s30+s3] =	stream.linear.scatter [tilespmem:s15], [sflag:$0x6], $0x4000, $0x38;
	[tilespmem:$0x16400] =	vst v63  }
0x2a: {  	_ =	swait.ge [sflag:s23], $0x4000  }
0x2b: {  	[sflag:s23] =	ssyncset.done $0x0  }
0x2c: {  	s30 =	simm.s32 $0x280;
	[sflag:s23] =	ssyncadd.s32 $0xFFFFC000  }
0x2d: {  	[tilespmem:s15], [sflag:$0x2] =	stream.indirect.gather [hbm4b:s1+s13], $0x80, s30, s13, $0xb8;
	[tilespmem:$0x16400] =	vst v63  }
0x2e: {  	_ =	swait.ge [sflag:s24], $0x4000  }
0x2f: {  	[sflag:s24] =	ssyncset.done $0x0  }
0x30: {  	s30 =	sadd.s32 $0x1000, s16;
	[sflag:s24] =	ssyncadd.s32 $0xFFFFC000  }
0x31: {  	[hbm4b:s30+s3] =	stream.linear.scatter [tilespmem:s17], [sflag:$0x7], $0x4000, $0x38;
	[tilespmem:$0x16400] =	vst v63  }
0x32: {  	_ =	swait.ge [sflag:s25], $0x4000  }
0x33: {  	[sflag:s25] =	ssyncset.done $0x0  }
0x34: {  	s30 =	simm.s32 $0x300;
	[sflag:s25] =	ssyncadd.s32 $0xFFFFC000  }
0x35: {  	[tilespmem:s17], [sflag:$0x3] =	stream.indirect.gather [hbm4b:s1+s13], $0x80, s30, s13, $0xb8;
	[tilespmem:$0x16400] =	vst v63  }
0x36: {  	_ =	swait.ge [sflag:s26], $0x4000  }
0x37: {  	[sflag:s26] =	ssyncset.done $0x0  }
0x38: {  	s2 =	sadd.s32 $0x1800, s16;
	[sflag:s26] =	ssyncadd.s32 $0xFFFFC000  }
0x39: {  	[hbm4b:s2+s3] =	stream.linear.scatter [tilespmem:s19], [sflag:$0x8], $0x4000, $0x38;
	[tilespmem:$0x16400] =	vst v63  }
0x3a: {  	_ =	swait.ge [sflag:s28], $0x4000  }
0x3b: {  	s31 =	simm.s32 $0x2000;
	[sflag:s28] =	ssyncset.done $0x0  }
0x3c: {  	s30 =	simm.s32 $0x380;
	s2 =	simm.s32 $0x580;
	[sflag:s28] =	ssyncadd.s32 $0xFFFFC000  }
.LBB2_2:
0x3d: {  	[tilespmem:s19], [sflag:$0x4] =	stream.indirect.gather [hbm4b:s1+s13], $0x80, s30, s13, $0xb8;
	[tilespmem:$0x16400] =	vst v63  }
0x3e: {  	s0 =	smov.u32 s31;
	s30 =	smov.u32 s2  }
0x3f: {  	p0 =	sne.s32 s31, $0x60000;
	s31 =	sadd.s32 $0x2000, s31;
	_ =	swait.ge [sflag:s20], $0x4000  }
0x40: {  	[sflag:s20] =	ssyncset.done $0x0  }
0x41: {  	s16 =	sadd.s32 s0, s10;
	[sflag:s20] =	ssyncadd.s32 $0xFFFFC000  }
0x42: {  	[hbm4b:s16+s3] =	stream.linear.scatter [tilespmem:s14], [sflag:$0x5], $0x4000, $0x38;
	[tilespmem:$0x16400] =	vst v63  }
0x43: {  	_ =	swait.ge [sflag:s21], $0x4000  }
0x44: {  	[sflag:s21] =	ssyncset.done $0x0  }
0x45: {  	s16 =	sadd.s32 $0xFFFFFE80, s2;
	[sflag:s21] =	ssyncadd.s32 $0xFFFFC000  }
0x46: {  	[tilespmem:s14], [sflag:$0x1] =	stream.indirect.gather [hbm4b:s1+s13], $0x80, s16, s13, $0xb8;
	[tilespmem:$0x16400] =	vst v63  }
0x47: {  	_ =	swait.ge [sflag:s22], $0x4000  }
0x48: {  	s0 =	sadd.s32 s0, s11;
	[sflag:s22] =	ssyncset.done $0x0  }
0x49: {  	s16 =	sadd.s32 $0x800, s0;
	[sflag:s22] =	ssyncadd.s32 $0xFFFFC000  }
0x4a: {  	[hbm4b:s16+s3] =	stream.linear.scatter [tilespmem:s15], [sflag:$0x6], $0x4000, $0x38;
	[tilespmem:$0x16400] =	vst v63  }
0x4b: {  	_ =	swait.ge [sflag:s23], $0x4000  }
0x4c: {  	[sflag:s23] =	ssyncset.done $0x0  }
0x4d: {  	s16 =	sadd.s32 $0xFFFFFF00, s2;
	[sflag:s23] =	ssyncadd.s32 $0xFFFFC000  }
0x4e: {  	[tilespmem:s15], [sflag:$0x2] =	stream.indirect.gather [hbm4b:s1+s13], $0x80, s16, s13, $0xb8;
	[tilespmem:$0x16400] =	vst v63  }
0x4f: {  	_ =	swait.ge [sflag:s24], $0x4000  }
0x50: {  	[sflag:s24] =	ssyncset.done $0x0  }
0x51: {  	s16 =	sadd.s32 $0x1000, s0;
	[sflag:s24] =	ssyncadd.s32 $0xFFFFC000  }
0x52: {  	[hbm4b:s16+s3] =	stream.linear.scatter [tilespmem:s17], [sflag:$0x7], $0x4000, $0x38;
	[tilespmem:$0x16400] =	vst v63  }
0x53: {  	_ =	swait.ge [sflag:s25], $0x4000  }
0x54: {  	[sflag:s25] =	ssyncset.done $0x0  }
0x55: {  	s16 =	sadd.s32 $0xFFFFFF80, s2;
	[sflag:s25] =	ssyncadd.s32 $0xFFFFC000  }
0x56: {  	[tilespmem:s17], [sflag:$0x3] =	stream.indirect.gather [hbm4b:s1+s13], $0x80, s16, s13, $0xb8;
	[tilespmem:$0x16400] =	vst v63  }
0x57: {  	_ =	swait.ge [sflag:s26], $0x4000  }
0x58: {  	[sflag:s26] =	ssyncset.done $0x0  }
.Ltmp0:
0x59: {  	s0 =	sadd.s32 $0x1800, s0;
	[sflag:s26] =	ssyncadd.s32 $0xFFFFC000;
	(pc) =	sbr.rel @p0 .LBB2_2-.Ltmp0, $4  }
0x5a: {  	[hbm4b:s0+s3] =	stream.linear.scatter [tilespmem:s19], [sflag:$0x8], $0x4000, $0x38;
	[tilespmem:$0x16400] =	vst v63  }
0x5b: {  	_ =	swait.ge [sflag:s28], $0x4000  }
0x5c: {  	[sflag:s28] =	ssyncset.done $0x0  }
0x5d: {  	s2 =	sadd.s32 $0x200, s2;
	[sflag:s28] =	ssyncadd.s32 $0xFFFFC000  }
0x5e: {  	[tilespmem:s19], [sflag:$0x4] =	stream.indirect.gather [hbm4b:s1+s13], $0x80, s30, s13, $0xb8;
	[tilespmem:$0x16400] =	vst v63  }
0x5f: {  	_ =	swait.ge [sflag:s20], $0x4000  }
0x60: {  	[sflag:s20] =	ssyncset.done $0x0  }
0x61: {  	[sflag:s20] =	ssyncadd.s32 $0xFFFFC000  }
0x62: {  	[hbm4b:s5+s3] =	stream.linear.scatter [tilespmem:s14], [sflag:$0x5], $0x4000, $0x38;
	[tilespmem:$0x16400] =	vst v63  }
0x63: {  	_ =	swait.ge [sflag:s21], $0x4000  }
0x64: {  	[sflag:s21] =	ssyncset.done $0x0  }
0x65: {  	[sflag:s21] =	ssyncadd.s32 $0xFFFFC000  }
0x66: {  	_ =	swait.ge [sflag:s22], $0x4000  }
0x67: {  	[sflag:s22] =	ssyncset.done $0x0  }
0x68: {  	[sflag:s22] =	ssyncadd.s32 $0xFFFFC000  }
0x69: {  	[hbm4b:s6+s3] =	stream.linear.scatter [tilespmem:s15], [sflag:$0x6], $0x4000, $0x38;
	[tilespmem:$0x16400] =	vst v63  }
0x6a: {  	_ =	swait.ge [sflag:s23], $0x4000  }
0x6b: {  	[sflag:s23] =	ssyncset.done $0x0  }
0x6c: {  	[sflag:s23] =	ssyncadd.s32 $0xFFFFC000  }
0x6d: {  	_ =	swait.ge [sflag:s24], $0x4000  }
0x6e: {  	[sflag:s24] =	ssyncset.done $0x0  }
0x6f: {  	[sflag:s24] =	ssyncadd.s32 $0xFFFFC000  }
0x70: {  	[hbm4b:s7+s3] =	stream.linear.scatter [tilespmem:s17], [sflag:$0x7], $0x4000, $0x38;
	[tilespmem:$0x16400] =	vst v63  }
0x71: {  	_ =	swait.ge [sflag:s25], $0x4000  }
0x72: {  	[sflag:s25] =	ssyncset.done $0x0  }
0x73: {  	[sflag:s25] =	ssyncadd.s32 $0xFFFFC000  }
0x74: {  	s29 =	sadd.s32 $0x1, s29;
	_ =	swait.ge [sflag:s26], $0x4000  }
0x75: {  	p0 =	sne.s32 s29, s9;
	[sflag:s26] =	ssyncset.done $0x0  }
.Ltmp1:
0x76: {  	[sflag:s26] =	ssyncadd.s32 $0xFFFFC000;
	(pc) =	sbr.rel @p0 .LBB2_1-.Ltmp1, $4  }
0x77: {  	[hbm4b:s8+s3] =	stream.linear.scatter [tilespmem:s19], [sflag:$0x8], $0x4000, $0x38;
	[tilespmem:$0x16400] =	vst v63  }
0x78: {  	_ =	swait.ge [sflag:s28], $0x4000  }
0x79: {  	[sflag:s28] =	ssyncset.done $0x0  }
0x7a: {  	[sflag:s28] =	ssyncadd.s32 $0xFFFFC000  }
0x7b: {  	_ =	sfence.sel $0x180000  }
0x7c: {  	[bflag:$0x0] =	sbarrier.arrive $0xFFFF  }
0x7d: {  	_ =	strace $0x90000047  }
0x7e: {  	s0 =	stileid.u32;
	[bflag:$0x2] =	sbarrier.arrive $0xFFFF  }
0x7f: {  	p0 =	sne.s32 s0, $0x0;
	s0 =	rddreg [dreg:$0x3]  }
0x80: {  	s0 =	sadd.s32 @!p0 $0x100000, s0  }
0x81: {  	[sflag:s0] =	ssyncadd.tile.s32 @!p0 $0x1;
	_ =	shalt  }
.Lfunc_end2:
_tile_overlayer_lowered:
.L_overlay_start_2:
0x82: {  	(tag) =	ssettag $0x2  }
0x83: {  	s0 =	rddreg [dreg:$0x0];
	s2 =	stileid.u32  }
0x84: {  	s1 =	rddreg [dreg:$0x1];
	p0 =	sne.s32 s2, $0x0  }
0x85: {  	s3 =	rddreg [dreg:$0x2];
	[bflag:$0x3] =	sbarrier.arrive $0xFFFF;
	s2 =	simm.s32 @!p0 $0x1C09  }
0x86: {  	[timem:s3], [sflag:s2] =	dma.local @!p0 [hbm:s0], s1  }
0x87: {  	s0 =	simm.s32 @!p0 $0x9  }
0x88: {  	_ =	swait.ge @!p0 [sflag:s0], s1  }
0x89: {  	s1 =	ssub.s32 @!p0 $0x0, s1;
	[sflag:s0] =	ssyncset.done @!p0 $0x0  }
0x8a: {  	[sflag:s0] =	ssyncadd.s32 @!p0 s1  }
0x8b: {  	[bflag:$0x3] =	sbarrier.arrive $0xFFFF  }
0x8c: {  	_ =	shalt  }

</sc_bundles>
